<compile_context>
chip_gen: v7x
topology: tpu7x:2x2x1
jax: 0.10.2.dev20260603
libtpu: 0.0.44.dev20260713+nightly
codegen_flags: <defaults>
</compile_context>

<pallas_src>
import functools

import jax
import jax.numpy as jnp
from jax import lax
from jax.experimental import pallas as pl
from jax.experimental.pallas import tpu as pltpu
from jax.experimental.pallas import tpu_sc as plsc

N = 10000
NP = 10240
E = 320000
NC = 2
NS = 16
CH = 128
NCH = 160
E2 = NS * NCH * CH
ROWS_T = NP // NS
BN = 1000
GRID = N // BN

_MESH = plsc.VectorSubcoreMesh(core_axis_name="c", subcore_axis_name="s")
_F32 = jnp.float32
_HIGH = jax.lax.Precision.HIGHEST


def _dot(a, b):
    return jnp.dot(a, b, precision=_HIGH, preferred_element_type=_F32)


@functools.partial(
    pl.kernel,
    out_type=jax.ShapeDtypeStruct((NC, NP, 16), _F32),
    mesh=_MESH,
    scratch_types=[
        pltpu.VMEM((NCH, CH), jnp.int32),
        pltpu.VMEM((CH, 16), _F32),
        pltpu.VMEM_SHARED((NP, 16), _F32),
    ],
)
def _sc_deg(cidx_hbm, ones_hbm, zeros_hbm, deg_out, idx_v, ones_v, acc_s):
    c = lax.axis_index("c")
    s = lax.axis_index("s")
    slab = pl.ds(s * ROWS_T, ROWS_T)
    pltpu.sync_copy(zeros_hbm, acc_s.at[slab])
    pltpu.sync_copy(ones_hbm, ones_v)
    pltpu.sync_copy(cidx_hbm.at[c, pl.ds(s * NCH, NCH)], idx_v)
    plsc.subcore_barrier()

    def body(j, carry):
        pltpu.sync_copy(ones_v, acc_s.at[idx_v.at[j]], add=True)
        return carry

    lax.fori_loop(0, NCH, body, 0)
    plsc.subcore_barrier()
    pltpu.sync_copy(acc_s.at[slab], deg_out.at[c, slab])


def _make_sc_pass(W):
    @functools.partial(
        pl.kernel,
        out_type=jax.ShapeDtypeStruct((NC, NP, W), _F32),
        mesh=_MESH,
        scratch_types=[
            pltpu.VMEM((NCH, CH), jnp.int32),
            pltpu.VMEM((NCH, CH), jnp.int32),
            pltpu.VMEM((CH, W), _F32),
            pltpu.VMEM_SHARED((NP, W), _F32),
            pltpu.SemaphoreType.DMA,
        ],
        compiler_params=pltpu.CompilerParams(use_tc_tiling_on_sc=False),
    )
    def _sc_pass(ridx_hbm, cidx_hbm, gtab_hbm, zeros_hbm, acc_out,
                 ridx_v, cidx_v, rows_v, acc_s, sem):
        c = lax.axis_index("c")
        s = lax.axis_index("s")
        slab = pl.ds(s * ROWS_T, ROWS_T)
        pltpu.sync_copy(zeros_hbm, acc_s.at[slab])
        pltpu.sync_copy(ridx_hbm.at[c, pl.ds(s * NCH, NCH)], ridx_v)
        pltpu.sync_copy(cidx_hbm.at[c, pl.ds(s * NCH, NCH)], cidx_v)
        plsc.subcore_barrier()

        def body(j, carry):
            pltpu.async_copy(gtab_hbm.at[ridx_v.at[j]], rows_v, sem).wait()
            pltpu.sync_copy(rows_v, acc_s.at[cidx_v.at[j]], add=True)
            return carry

        lax.fori_loop(0, NCH, body, 0)
        plsc.subcore_barrier()
        pltpu.sync_copy(acc_s.at[slab], acc_out.at[c, slab])

    return _sc_pass


_sc_pass1 = _make_sc_pass(64)
_sc_pass2 = _make_sc_pass(96)


def _row_spec(width):
    return pl.BlockSpec((BN, width), lambda i: (i, 0))


def _br_spec(width):
    return pl.BlockSpec((NC, BN, width), lambda i: (0, i, 0))


def _full_spec(shape):
    nd = len(shape)
    return pl.BlockSpec(shape, lambda i: (0,) * nd)


def _tc_a_body(feat, spat, degf, degs, fcW, fcb, cfcW, cfcb, f1W, s1W,
               g1, s1, dv):
    dinvf = lax.rsqrt(degf[:, :1] + 1.0)
    dinvs = lax.rsqrt(degs[:, :1] + 1.0)
    x0f = jnp.maximum(_dot(feat[...], fcW[...]) + fcb[...], 0.0)
    h1f = _dot(x0f, f1W[...])
    x0s = jnp.maximum(_dot(spat[...], cfcW[...]) + cfcb[...], 0.0)
    h1s = _dot(x0s, s1W[...])
    g1[...] = jnp.concatenate([dinvf * h1f, dinvs * h1s], axis=1)
    s1[0] = (dinvf * dinvf) * h1f
    s1[1] = (dinvs * dinvs) * h1s
    dv[0] = jnp.broadcast_to(dinvf, (BN, 8))
    dv[1] = jnp.broadcast_to(dinvs, (BN, 8))


def _tc_a(feat, spat, degf, degs, fcW, fcb, cfcW, cfcb, f1W, s1W):
    return pl.pallas_call(
        _tc_a_body,
        grid=(GRID,),
        in_specs=[
            _row_spec(128), _row_spec(128),
            _row_spec(16), _row_spec(16),
            _full_spec((128, 32)), _full_spec((1, 32)),
            _full_spec((128, 32)), _full_spec((1, 32)),
            _full_spec((32, 32)), _full_spec((32, 32)),
        ],
        out_specs=[_row_spec(64), _br_spec(32), _br_spec(8)],
        out_shape=[
            jax.ShapeDtypeStruct((N, 64), _F32),
            jax.ShapeDtypeStruct((NC, N, 32), _F32),
            jax.ShapeDtypeStruct((NC, N, 8), _F32),
        ],
    )(feat, spat, degf, degs, fcW, fcb, cfcW, cfcb, f1W, s1W)


def _tc_b_body(a1, s1, dv, f1b, s1b, f2Wp, s2Wp, g2, s2):
    dinvf = dv[0, :, :1]
    dinvs = dv[1, :, :1]
    x1f = jnp.maximum(dinvf * a1[0, :, 0:32] + s1[0] + f1b[...], 0.0)
    x1s = jnp.maximum(dinvs * a1[1, :, 32:64] + s1[1] + s1b[...], 0.0)
    h2f = _dot(x1f, f2Wp[...])
    h2s = _dot(x1s, s2Wp[...])
    gf = dinvf * h2f
    gs = dinvs * h2s
    g2[...] = jnp.concatenate([gf, gs], axis=1)
    s2[0] = dinvf * gf
    s2[1] = dinvs * gs


def _tc_b(a1, s1, dv, f1b, s1b, f2Wp, s2Wp):
    return pl.pallas_call(
        _tc_b_body,
        grid=(GRID,),
        in_specs=[
            _br_spec(64), _br_spec(32), _br_spec(8),
            _full_spec((1, 32)), _full_spec((1, 32)),
            _full_spec((32, 48)), _full_spec((32, 48)),
        ],
        out_specs=[_row_spec(96), _br_spec(48)],
        out_shape=[
            jax.ShapeDtypeStruct((N, 96), _F32),
            jax.ShapeDtypeStruct((NC, N, 48), _F32),
        ],
    )(a1, s1, dv, f1b, s1b, f2Wp, s2Wp)


def _tc_c_body(a2, s2, dv, f2bp, s2bp, p1Wf, p1Ws, p1bp, p2Wp, p2b, out):
    dinvf = dv[0, :, :1]
    dinvs = dv[1, :, :1]
    rf = jnp.maximum(dinvf * a2[0, :, 0:48] + s2[0] + f2bp[...], 0.0)
    rs = jnp.maximum(dinvs * a2[1, :, 48:96] + s2[1] + s2bp[...], 0.0)
    y = jnp.maximum(_dot(rf, p1Wf[...]) + _dot(rs, p1Ws[...]) + p1bp[...], 0.0)
    out[...] = _dot(y, p2Wp[...]) + p2b[...]


def _tc_c(a2, s2, dv, f2bp, s2bp, p1Wf, p1Ws, p1bp, p2Wp, p2b):
    return pl.pallas_call(
        _tc_c_body,
        grid=(GRID,),
        in_specs=[
            _br_spec(96), _br_spec(48), _br_spec(8),
            _full_spec((1, 48)), _full_spec((1, 48)),
            _full_spec((48, 48)), _full_spec((48, 48)), _full_spec((1, 48)),
            _full_spec((48, 128)), _full_spec((1, 128)),
        ],
        out_specs=[_row_spec(128)],
        out_shape=[jax.ShapeDtypeStruct((N, 128), _F32)],
    )(a2, s2, dv, f2bp, s2bp, p1Wf, p1Ws, p1bp, p2Wp, p2b)


def _pad_edges(idx, fill):
    return jnp.concatenate(
        [idx, jnp.full((E2 - E,), fill, jnp.int32)]).reshape(NS * NCH, CH)


def kernel(feat, spat, feat_edge_index, spat_edge_index,
           fc_W, fc_b, cnn_fc_W, cnn_fc_b,
           fconv1_W, fconv1_b, fconv2_W, fconv2_b,
           sconv1_W, sconv1_b, sconv2_W, sconv2_b,
           proj1_W, proj1_b, proj2_W, proj2_b):
    ridx = jnp.stack([_pad_edges(feat_edge_index[0], 0),
                      _pad_edges(spat_edge_index[0], 0)])
    cidx = jnp.stack([_pad_edges(feat_edge_index[1], N),
                      _pad_edges(spat_edge_index[1], N)])

    ones16 = jnp.ones((CH, 16), _F32)
    z16 = jnp.zeros((ROWS_T, 16), _F32)
    z64 = jnp.zeros((ROWS_T, 64), _F32)
    z96 = jnp.zeros((ROWS_T, 96), _F32)

    f2Wp = jnp.pad(fconv2_W, ((0, 0), (0, 48 - 33)))
    s2Wp = jnp.pad(sconv2_W, ((0, 0), (0, 48 - 11)))
    f2bp = jnp.pad(fconv2_b, (0, 48 - 33)).reshape(1, 48)
    s2bp = jnp.pad(sconv2_b, (0, 48 - 11)).reshape(1, 48)
    p1Wf = jnp.pad(proj1_W[:33], ((0, 48 - 33), (0, 48 - 33)))
    p1Ws = jnp.pad(proj1_W[33:], ((0, 48 - 11), (0, 48 - 33)))
    p1bp = jnp.pad(proj1_b, (0, 48 - 33)).reshape(1, 48)
    p2Wp = jnp.pad(proj2_W, ((0, 48 - 33), (0, 0)))
    p2b = proj2_b.reshape(1, 128)

    deg = _sc_deg(cidx, ones16, z16)
    g1, s1, dv = _tc_a(
        feat, spat, deg[0, :N], deg[1, :N],
        fc_W, fc_b.reshape(1, 32), cnn_fc_W, cnn_fc_b.reshape(1, 32),
        fconv1_W, sconv1_W)
    a1 = _sc_pass1(ridx, cidx, jnp.pad(g1, ((0, NP - N), (0, 0))), z64)
    g2, s2 = _tc_b(a1[:, :N], s1, dv, fconv1_b.reshape(1, 32),
                   sconv1_b.reshape(1, 32), f2Wp, s2Wp)
    a2 = _sc_pass2(ridx, cidx, jnp.pad(g2, ((0, NP - N), (0, 0))), z96)
    (out,) = _tc_c(a2[:, :N], s2, dv, f2bp, s2bp,
                   p1Wf, p1Ws, p1bp, p2Wp, p2b)
    return out

# --- scband reference (transcript-rebuilt; emitter-appended) ---
"""Pipeline reference for scband-snap-gnn-duo-34840774705777 (READ-ONLY COPY).

The authoritative reference and input builder live on the scoring server;
editing this copy changes nothing except your own understanding.
"""

import jax, jax.numpy as jnp
import numpy as np

N = 10000
E = 320000
D_IN = 128
PROJ = 32
FC_OUT = 33
CNN_OUT = 11
LATENT = 33
OUT_DIM = 64


def _lin_params(key, fan_in, fan_out):
    k1, k2 = jax.random.split(key)
    s = 1.0 / np.sqrt(fan_in)
    W = jax.random.uniform(k1, (fan_in, fan_out), minval=-s, maxval=s, dtype=jnp.float32)
    b = jax.random.uniform(k2, (fan_out,), minval=-s, maxval=s, dtype=jnp.float32)
    return W, b


def gcn_conv(x, edge_index, W, b, num_nodes):
    # PyG GCNConv: linear transform, add self-loops, symmetric normalization, scatter-add, bias
    loops = jnp.arange(num_nodes, dtype=edge_index.dtype)
    ei = jnp.concatenate([edge_index, jnp.stack([loops, loops])], axis=1)
    row, col = ei[0], ei[1]
    deg = jax.ops.segment_sum(jnp.ones(ei.shape[1], dtype=x.dtype), col, num_segments=num_nodes)
    dinv = jnp.where(deg > 0, deg ** -0.5, 0.0)
    norm = dinv[row] * dinv[col]
    h = x @ W
    msgs = h[row] * norm[:, None]
    out = jax.ops.segment_sum(msgs, col, num_segments=num_nodes)
    return out + b


def setup_inputs(seed: int = 0) -> dict:
    key = jax.random.key(seed)
    ks = jax.random.split(key, 14)
    feat = jax.random.normal(ks[0], (N, D_IN), dtype=jnp.float32)
    spat = jax.random.normal(ks[1], (N, D_IN), dtype=jnp.float32)
    feat_edge_index = jax.random.randint(ks[2], (2, E), 0, N, dtype=jnp.int32)
    spat_edge_index = jax.random.randint(ks[3], (2, E), 0, N, dtype=jnp.int32)
    fc_W, fc_b = _lin_params(ks[4], D_IN, PROJ)
    cnn_fc_W, cnn_fc_b = _lin_params(ks[5], D_IN, PROJ)
    fconv1_W, fconv1_b = _lin_params(ks[6], PROJ, PROJ)
    fconv2_W, fconv2_b = _lin_params(ks[7], PROJ, FC_OUT)
    sconv1_W, sconv1_b = _lin_params(ks[8], PROJ, PROJ)
    sconv2_W, sconv2_b = _lin_params(ks[9], PROJ, CNN_OUT)
    proj1_W, proj1_b = _lin_params(ks[10], FC_OUT + CNN_OUT, LATENT)
    proj2_W, proj2_b = _lin_params(ks[11], LATENT, OUT_DIM * 2)
    return {
        'feat': feat, 'spat': spat,
        'feat_edge_index': feat_edge_index, 'spat_edge_index': spat_edge_index,
        'fc_W': fc_W, 'fc_b': fc_b, 'cnn_fc_W': cnn_fc_W, 'cnn_fc_b': cnn_fc_b,
        'fconv1_W': fconv1_W, 'fconv1_b': fconv1_b, 'fconv2_W': fconv2_W, 'fconv2_b': fconv2_b,
        'sconv1_W': sconv1_W, 'sconv1_b': sconv1_b, 'sconv2_W': sconv2_W, 'sconv2_b': sconv2_b,
        'proj1_W': proj1_W, 'proj1_b': proj1_b, 'proj2_W': proj2_W, 'proj2_b': proj2_b,
    }


def reference(feat, spat, feat_edge_index, spat_edge_index,
              fc_W, fc_b, cnn_fc_W, cnn_fc_b,
              fconv1_W, fconv1_b, fconv2_W, fconv2_b,
              sconv1_W, sconv1_b, sconv2_W, sconv2_b,
              proj1_W, proj1_b, proj2_W, proj2_b):
    # feat branch
    xf = jax.nn.relu(feat @ fc_W + fc_b)
    xf = jax.nn.relu(gcn_conv(xf, feat_edge_index, fconv1_W, fconv1_b, N))
    xf = gcn_conv(xf, feat_edge_index, fconv2_W, fconv2_b, N)
    # spat branch
    xs = jax.nn.relu(spat @ cnn_fc_W + cnn_fc_b)
    xs = jax.nn.relu(gcn_conv(xs, spat_edge_index, sconv1_W, sconv1_b, N))
    xs = gcn_conv(xs, spat_edge_index, sconv2_W, sconv2_b, N)
    x = jnp.concatenate([xf, xs], axis=1)
    x = jax.nn.relu(x)
    x = jax.nn.relu(x @ proj1_W + proj1_b)
    x = x @ proj2_W + proj2_b
    return x

if __name__ == "__main__":
    import jax
    _d = setup_inputs()
    print(jax.jit(kernel)(*tuple(_d.values())))

</pallas_src>

<mosaic_0001>
#map = affine_map<(d0, d1) -> (0, 0, 0)>
#map1 = affine_map<(d0, d1) -> (0, 0)>
module attributes {stable_mosaic.version = 14 : i64} {
  func.func @_sc_deg(%arg0: i32, %arg1: i32, %arg2: memref<2x2560x128xi32, #tpu.memory_space<hbm>>, %arg3: memref<128x16xf32, #tpu.memory_space<hbm>>, %arg4: memref<640x16xf32, #tpu.memory_space<hbm>>, %arg5: memref<2x10240x16xf32, #tpu.memory_space<hbm>>, %arg6: memref<160x128xi32, #tpu.memory_space<vmem>>, %arg7: memref<128x16xf32, #tpu.memory_space<vmem>>, %arg8: memref<10240x16xf32, #tpu.memory_space<vmem_shared>>) attributes {dimension_semantics = [#tpu.dimension_semantics<core_parallel>, #tpu.dimension_semantics<subcore_parallel>], iteration_bounds = array<i64: 2, 16>, scalar_prefetch = 0 : i64, scratch_operands = 3 : i64, tpu.core_type = #tpu.core_type<sc_vector_subcore>, window_params = [{transform_indices = #map}, {transform_indices = #map1}, {transform_indices = #map1}, {transform_indices = #map}]} {
    %mul3A = arith.constant 640 : i32
    %mul3A_0 = arith.muli %arg1, %mul3A : i32
    "tpu.region"() ({
      %run_scoped3A = tpu.sem_alloc : memref<!tpu.dma_semaphore, #tpu.memory_space<semaphore_mem>>
      %dma_start3A = arith.constant 0 : i32
      %dma_start3A_9 = tpu.memref_slice %arg8[%mul3A_0, %dma_start3A] : memref<10240x16xf32, #tpu.memory_space<vmem_shared>> -> memref<640x16xf32, #tpu.memory_space<vmem_shared>>
      tpu.enqueue_dma source(%arg4 : memref<640x16xf32, #tpu.memory_space<hbm>>) target(%dma_start3A_9 : memref<640x16xf32, #tpu.memory_space<vmem_shared>>) target_semaphore(%run_scoped3A : memref<!tpu.dma_semaphore, #tpu.memory_space<semaphore_mem>>)
      %dma_wait3A = arith.constant 0 : i32
      %dma_wait3A_10 = tpu.memref_slice %arg8[%mul3A_0, %dma_wait3A] : memref<10240x16xf32, #tpu.memory_space<vmem_shared>> -> memref<640x16xf32, #tpu.memory_space<vmem_shared>>
      tpu.wait_dma2 semaphore(%run_scoped3A : memref<!tpu.dma_semaphore, #tpu.memory_space<semaphore_mem>>) src(%arg4 : memref<640x16xf32, #tpu.memory_space<hbm>>) dst(%dma_wait3A_10 : memref<640x16xf32, #tpu.memory_space<vmem_shared>>)
      tpu.yield
    }) : () -> ()
    "tpu.region"() ({
      %run_scoped3A = tpu.sem_alloc : memref<!tpu.dma_semaphore, #tpu.memory_space<semaphore_mem>>
      tpu.enqueue_dma source(%arg3 : memref<128x16xf32, #tpu.memory_space<hbm>>) target(%arg7 : memref<128x16xf32, #tpu.memory_space<vmem>>) target_semaphore(%run_scoped3A : memref<!tpu.dma_semaphore, #tpu.memory_space<semaphore_mem>>)
      tpu.wait_dma2 semaphore(%run_scoped3A : memref<!tpu.dma_semaphore, #tpu.memory_space<semaphore_mem>>) src(%arg3 : memref<128x16xf32, #tpu.memory_space<hbm>>) dst(%arg7 : memref<128x16xf32, #tpu.memory_space<vmem>>)
      tpu.yield
    }) : () -> ()
    %mul3A_1 = arith.constant 160 : i32
    %mul3A_2 = arith.muli %arg1, %mul3A_1 : i32
    "tpu.region"() ({
      %run_scoped3A = tpu.sem_alloc : memref<!tpu.dma_semaphore, #tpu.memory_space<semaphore_mem>>
      %dma_start3A = arith.constant 0 : i32
      %dma_start3A_9 = tpu.memref_slice %arg2[%arg0, %mul3A_2, %dma_start3A] : memref<2x2560x128xi32, #tpu.memory_space<hbm>> -> memref<1x160x128xi32, #tpu.memory_space<hbm>>
      %dma_start3A_10 = tpu.memref_squeeze %dma_start3A_9 : memref<1x160x128xi32, #tpu.memory_space<hbm>> -> memref<160x128xi32, #tpu.memory_space<hbm>>
      %dma_start3A_11 = arith.constant 0 : i32
      %dma_start3A_12 = tpu.memref_slice %arg2[%arg0, %mul3A_2, %dma_start3A_11] : memref<2x2560x128xi32, #tpu.memory_space<hbm>> -> memref<1x160x128xi32, #tpu.memory_space<hbm>>
      %dma_start3A_13 = tpu.memref_squeeze %dma_start3A_12 : memref<1x160x128xi32, #tpu.memory_space<hbm>> -> memref<160x128xi32, #tpu.memory_space<hbm>>
      tpu.enqueue_dma source(%dma_start3A_13 : memref<160x128xi32, #tpu.memory_space<hbm>>) target(%arg6 : memref<160x128xi32, #tpu.memory_space<vmem>>) target_semaphore(%run_scoped3A : memref<!tpu.dma_semaphore, #tpu.memory_space<semaphore_mem>>)
      %dma_wait3A = arith.constant 0 : i32
      %dma_wait3A_14 = tpu.memref_slice %arg2[%arg0, %mul3A_2, %dma_wait3A] : memref<2x2560x128xi32, #tpu.memory_space<hbm>> -> memref<1x160x128xi32, #tpu.memory_space<hbm>>
      %dma_wait3A_15 = tpu.memref_squeeze %dma_wait3A_14 : memref<1x160x128xi32, #tpu.memory_space<hbm>> -> memref<160x128xi32, #tpu.memory_space<hbm>>
      %dma_wait3A_16 = arith.constant 0 : i32
      %dma_wait3A_17 = tpu.memref_slice %arg2[%arg0, %mul3A_2, %dma_wait3A_16] : memref<2x2560x128xi32, #tpu.memory_space<hbm>> -> memref<1x160x128xi32, #tpu.memory_space<hbm>>
      %dma_wait3A_18 = tpu.memref_squeeze %dma_wait3A_17 : memref<1x160x128xi32, #tpu.memory_space<hbm>> -> memref<160x128xi32, #tpu.memory_space<hbm>>
      tpu.wait_dma2 semaphore(%run_scoped3A : memref<!tpu.dma_semaphore, #tpu.memory_space<semaphore_mem>>) src(%dma_wait3A_18 : memref<160x128xi32, #tpu.memory_space<hbm>>) dst(%arg6 : memref<160x128xi32, #tpu.memory_space<vmem>>)
      tpu.yield
    }) : () -> ()
    %barrier3A = arith.constant 0 : index
    tpu.barrier barrier_id(%barrier3A)
    %scan3A = arith.constant 0 : i32
    %scan3A_3 = arith.constant 0 : i32
    %scan3A_4 = arith.constant 160 : i32
    %scan3A_5 = arith.addi %scan3A_3, %scan3A_4 : i32
    %scan3A_6 = arith.constant 1 : i32
    scf.for %scan3A_9 = %scan3A_3 to %scan3A_5 step %scan3A_6  : i32 {
      "tpu.region"() ({
        %run_scoped3A = tpu.sem_alloc : memref<!tpu.dma_semaphore, #tpu.memory_space<semaphore_mem>>
        %dma_start3A = arith.constant 0 : i32
        %dma_start3A_10 = tpu.memref_slice %arg6[%scan3A_9, %dma_start3A] : memref<160x128xi32, #tpu.memory_space<vmem>> -> memref<1x128xi32, #tpu.memory_space<vmem>>
        %dma_start3A_11 = tpu.memref_squeeze %dma_start3A_10 : memref<1x128xi32, #tpu.memory_space<vmem>> -> memref<128xi32, #tpu.memory_space<vmem>>
        %dma_start3A_12 = arith.constant 0 : i32
        %dma_start3A_13 = arith.constant 0 : i32
        %dma_start3A_14 = tpu.memref_slice %arg8[%dma_start3A_12, %dma_start3A_13] : memref<10240x16xf32, #tpu.memory_space<vmem_shared>> -> memref<10240x16xf32, #tpu.memory_space<vmem_shared>>
        tpu.enqueue_indirect_dma source(%arg7 : memref<128x16xf32, #tpu.memory_space<vmem>>) target(%dma_start3A_14 : memref<10240x16xf32, #tpu.memory_space<vmem_shared>>) offsets(%dma_start3A_11 : memref<128xi32, #tpu.memory_space<vmem>>) semaphore(%run_scoped3A : memref<!tpu.dma_semaphore, #tpu.memory_space<semaphore_mem>>) {add = true}
        %dma_wait3A = arith.constant 0 : i32
        %dma_wait3A_15 = tpu.memref_slice %arg6[%scan3A_9, %dma_wait3A] : memref<160x128xi32, #tpu.memory_space<vmem>> -> memref<1x128xi32, #tpu.memory_space<vmem>>
        %dma_wait3A_16 = tpu.memref_squeeze %dma_wait3A_15 : memref<1x128xi32, #tpu.memory_space<vmem>> -> memref<128xi32, #tpu.memory_space<vmem>>
        %dma_wait3A_17 = arith.constant 0 : i32
        %dma_wait3A_18 = arith.constant 0 : i32
        %dma_wait3A_19 = tpu.memref_slice %arg8[%dma_wait3A_17, %dma_wait3A_18] : memref<10240x16xf32, #tpu.memory_space<vmem_shared>> -> memref<10240x16xf32, #tpu.memory_space<vmem_shared>>
        tpu.wait_indirect_dma semaphore(%run_scoped3A : memref<!tpu.dma_semaphore, #tpu.memory_space<semaphore_mem>>) src(%arg7 : memref<128x16xf32, #tpu.memory_space<vmem>>) dst(%dma_wait3A_19 : memref<10240x16xf32, #tpu.memory_space<vmem_shared>>)
        tpu.yield
      }) : () -> ()
    }
    %scan3A_7 = arith.constant 160 : i32
    %barrier3A_8 = arith.constant 0 : index
    tpu.barrier barrier_id(%barrier3A_8)
    "tpu.region"() ({
      %run_scoped3A = tpu.sem_alloc : memref<!tpu.dma_semaphore, #tpu.memory_space<semaphore_mem>>
      %dma_start3A = arith.constant 0 : i32
      %dma_start3A_9 = tpu.memref_slice %arg5[%arg0, %mul3A_0, %dma_start3A] : memref<2x10240x16xf32, #tpu.memory_space<hbm>> -> memref<1x640x16xf32, #tpu.memory_space<hbm>>
      %dma_start3A_10 = tpu.memref_squeeze %dma_start3A_9 : memref<1x640x16xf32, #tpu.memory_space<hbm>> -> memref<640x16xf32, #tpu.memory_space<hbm>>
      %dma_start3A_11 = arith.constant 0 : i32
      %dma_start3A_12 = tpu.memref_slice %arg8[%mul3A_0, %dma_start3A_11] : memref<10240x16xf32, #tpu.memory_space<vmem_shared>> -> memref<640x16xf32, #tpu.memory_space<vmem_shared>>
      tpu.enqueue_dma source(%dma_start3A_12 : memref<640x16xf32, #tpu.memory_space<vmem_shared>>) target(%dma_start3A_10 : memref<640x16xf32, #tpu.memory_space<hbm>>) target_semaphore(%run_scoped3A : memref<!tpu.dma_semaphore, #tpu.memory_space<semaphore_mem>>)
      %dma_wait3A = arith.constant 0 : i32
      %dma_wait3A_13 = tpu.memref_slice %arg5[%arg0, %mul3A_0, %dma_wait3A] : memref<2x10240x16xf32, #tpu.memory_space<hbm>> -> memref<1x640x16xf32, #tpu.memory_space<hbm>>
      %dma_wait3A_14 = tpu.memref_squeeze %dma_wait3A_13 : memref<1x640x16xf32, #tpu.memory_space<hbm>> -> memref<640x16xf32, #tpu.memory_space<hbm>>
      %dma_wait3A_15 = arith.constant 0 : i32
      %dma_wait3A_16 = tpu.memref_slice %arg8[%mul3A_0, %dma_wait3A_15] : memref<10240x16xf32, #tpu.memory_space<vmem_shared>> -> memref<640x16xf32, #tpu.memory_space<vmem_shared>>
      tpu.wait_dma2 semaphore(%run_scoped3A : memref<!tpu.dma_semaphore, #tpu.memory_space<semaphore_mem>>) src(%dma_wait3A_16 : memref<640x16xf32, #tpu.memory_space<vmem_shared>>) dst(%dma_wait3A_14 : memref<640x16xf32, #tpu.memory_space<hbm>>)
      tpu.yield
    }) : () -> ()
    return
  }
}

#map = affine_map<(d0, d1) -> (0, 0, 0)>
#map1 = affine_map<(d0, d1) -> (0, 0)>
module attributes {stable_mosaic.version = 14 : i64} {
  func.func @_sc_pass(%arg0: i32, %arg1: i32, %arg2: memref<2x2560x128xi32, #tpu.memory_space<hbm>>, %arg3: memref<2x2560x128xi32, #tpu.memory_space<hbm>>, %arg4: memref<10240x64xf32, #tpu.memory_space<hbm>>, %arg5: memref<640x64xf32, #tpu.memory_space<hbm>>, %arg6: memref<2x10240x64xf32, #tpu.memory_space<hbm>>, %arg7: memref<160x128xi32, #tpu.memory_space<vmem>>, %arg8: memref<160x128xi32, #tpu.memory_space<vmem>>, %arg9: memref<128x64xf32, #tpu.memory_space<vmem>>, %arg10: memref<10240x64xf32, #tpu.memory_space<vmem_shared>>, %arg11: memref<!tpu.dma_semaphore, #tpu.memory_space<semaphore_mem>>) attributes {dimension_semantics = [#tpu.dimension_semantics<core_parallel>, #tpu.dimension_semantics<subcore_parallel>], iteration_bounds = array<i64: 2, 16>, scalar_prefetch = 0 : i64, scratch_operands = 5 : i64, tpu.core_type = #tpu.core_type<sc_vector_subcore>, window_params = [{transform_indices = #map}, {transform_indices = #map}, {transform_indices = #map1}, {transform_indices = #map1}, {transform_indices = #map}]} {
    %mul3A = arith.constant 640 : i32
    %mul3A_0 = arith.muli %arg1, %mul3A : i32
    "tpu.region"() ({
      %run_scoped3A = tpu.sem_alloc : memref<!tpu.dma_semaphore, #tpu.memory_space<semaphore_mem>>
      %dma_start3A = arith.constant 0 : i32
      %dma_start3A_11 = tpu.memref_slice %arg10[%mul3A_0, %dma_start3A] : memref<10240x64xf32, #tpu.memory_space<vmem_shared>> -> memref<640x64xf32, #tpu.memory_space<vmem_shared>>
      tpu.enqueue_dma source(%arg5 : memref<640x64xf32, #tpu.memory_space<hbm>>) target(%dma_start3A_11 : memref<640x64xf32, #tpu.memory_space<vmem_shared>>) target_semaphore(%run_scoped3A : memref<!tpu.dma_semaphore, #tpu.memory_space<semaphore_mem>>)
      %dma_wait3A = arith.constant 0 : i32
      %dma_wait3A_12 = tpu.memref_slice %arg10[%mul3A_0, %dma_wait3A] : memref<10240x64xf32, #tpu.memory_space<vmem_shared>> -> memref<640x64xf32, #tpu.memory_space<vmem_shared>>
      tpu.wait_dma2 semaphore(%run_scoped3A : memref<!tpu.dma_semaphore, #tpu.memory_space<semaphore_mem>>) src(%arg5 : memref<640x64xf32, #tpu.memory_space<hbm>>) dst(%dma_wait3A_12 : memref<640x64xf32, #tpu.memory_space<vmem_shared>>)
      tpu.yield
    }) : () -> ()
    %mul3A_1 = arith.constant 160 : i32
    %mul3A_2 = arith.muli %arg1, %mul3A_1 : i32
    "tpu.region"() ({
      %run_scoped3A = tpu.sem_alloc : memref<!tpu.dma_semaphore, #tpu.memory_space<semaphore_mem>>
      %dma_start3A = arith.constant 0 : i32
      %dma_start3A_11 = tpu.memref_slice %arg2[%arg0, %mul3A_2, %dma_start3A] : memref<2x2560x128xi32, #tpu.memory_space<hbm>> -> memref<1x160x128xi32, #tpu.memory_space<hbm>>
      %dma_start3A_12 = tpu.memref_squeeze %dma_start3A_11 : memref<1x160x128xi32, #tpu.memory_space<hbm>> -> memref<160x128xi32, #tpu.memory_space<hbm>>
      %dma_start3A_13 = arith.constant 0 : i32
      %dma_start3A_14 = tpu.memref_slice %arg2[%arg0, %mul3A_2, %dma_start3A_13] : memref<2x2560x128xi32, #tpu.memory_space<hbm>> -> memref<1x160x128xi32, #tpu.memory_space<hbm>>
      %dma_start3A_15 = tpu.memref_squeeze %dma_start3A_14 : memref<1x160x128xi32, #tpu.memory_space<hbm>> -> memref<160x128xi32, #tpu.memory_space<hbm>>
      tpu.enqueue_dma source(%dma_start3A_15 : memref<160x128xi32, #tpu.memory_space<hbm>>) target(%arg7 : memref<160x128xi32, #tpu.memory_space<vmem>>) target_semaphore(%run_scoped3A : memref<!tpu.dma_semaphore, #tpu.memory_space<semaphore_mem>>)
      %dma_wait3A = arith.constant 0 : i32
      %dma_wait3A_16 = tpu.memref_slice %arg2[%arg0, %mul3A_2, %dma_wait3A] : memref<2x2560x128xi32, #tpu.memory_space<hbm>> -> memref<1x160x128xi32, #tpu.memory_space<hbm>>
      %dma_wait3A_17 = tpu.memref_squeeze %dma_wait3A_16 : memref<1x160x128xi32, #tpu.memory_space<hbm>> -> memref<160x128xi32, #tpu.memory_space<hbm>>
      %dma_wait3A_18 = arith.constant 0 : i32
      %dma_wait3A_19 = tpu.memref_slice %arg2[%arg0, %mul3A_2, %dma_wait3A_18] : memref<2x2560x128xi32, #tpu.memory_space<hbm>> -> memref<1x160x128xi32, #tpu.memory_space<hbm>>
      %dma_wait3A_20 = tpu.memref_squeeze %dma_wait3A_19 : memref<1x160x128xi32, #tpu.memory_space<hbm>> -> memref<160x128xi32, #tpu.memory_space<hbm>>
      tpu.wait_dma2 semaphore(%run_scoped3A : memref<!tpu.dma_semaphore, #tpu.memory_space<semaphore_mem>>) src(%dma_wait3A_20 : memref<160x128xi32, #tpu.memory_space<hbm>>) dst(%arg7 : memref<160x128xi32, #tpu.memory_space<vmem>>)
      tpu.yield
    }) : () -> ()
    %mul3A_3 = arith.constant 160 : i32
    %mul3A_4 = arith.muli %arg1, %mul3A_3 : i32
    "tpu.region"() ({
      %run_scoped3A = tpu.sem_alloc : memref<!tpu.dma_semaphore, #tpu.memory_space<semaphore_mem>>
      %dma_start3A = arith.constant 0 : i32
      %dma_start3A_11 = tpu.memref_slice %arg3[%arg0, %mul3A_4, %dma_start3A] : memref<2x2560x128xi32, #tpu.memory_space<hbm>> -> memref<1x160x128xi32, #tpu.memory_space<hbm>>
      %dma_start3A_12 = tpu.memref_squeeze %dma_start3A_11 : memref<1x160x128xi32, #tpu.memory_space<hbm>> -> memref<160x128xi32, #tpu.memory_space<hbm>>
      %dma_start3A_13 = arith.constant 0 : i32
      %dma_start3A_14 = tpu.memref_slice %arg3[%arg0, %mul3A_4, %dma_start3A_13] : memref<2x2560x128xi32, #tpu.memory_space<hbm>> -> memref<1x160x128xi32, #tpu.memory_space<hbm>>
      %dma_start3A_15 = tpu.memref_squeeze %dma_start3A_14 : memref<1x160x128xi32, #tpu.memory_space<hbm>> -> memref<160x128xi32, #tpu.memory_space<hbm>>
      tpu.enqueue_dma source(%dma_start3A_15 : memref<160x128xi32, #tpu.memory_space<hbm>>) target(%arg8 : memref<160x128xi32, #tpu.memory_space<vmem>>) target_semaphore(%run_scoped3A : memref<!tpu.dma_semaphore, #tpu.memory_space<semaphore_mem>>)
      %dma_wait3A = arith.constant 0 : i32
      %dma_wait3A_16 = tpu.memref_slice %arg3[%arg0, %mul3A_4, %dma_wait3A] : memref<2x2560x128xi32, #tpu.memory_space<hbm>> -> memref<1x160x128xi32, #tpu.memory_space<hbm>>
      %dma_wait3A_17 = tpu.memref_squeeze %dma_wait3A_16 : memref<1x160x128xi32, #tpu.memory_space<hbm>> -> memref<160x128xi32, #tpu.memory_space<hbm>>
      %dma_wait3A_18 = arith.constant 0 : i32
      %dma_wait3A_19 = tpu.memref_slice %arg3[%arg0, %mul3A_4, %dma_wait3A_18] : memref<2x2560x128xi32, #tpu.memory_space<hbm>> -> memref<1x160x128xi32, #tpu.memory_space<hbm>>
      %dma_wait3A_20 = tpu.memref_squeeze %dma_wait3A_19 : memref<1x160x128xi32, #tpu.memory_space<hbm>> -> memref<160x128xi32, #tpu.memory_space<hbm>>
      tpu.wait_dma2 semaphore(%run_scoped3A : memref<!tpu.dma_semaphore, #tpu.memory_space<semaphore_mem>>) src(%dma_wait3A_20 : memref<160x128xi32, #tpu.memory_space<hbm>>) dst(%arg8 : memref<160x128xi32, #tpu.memory_space<vmem>>)
      tpu.yield
    }) : () -> ()
    %barrier3A = arith.constant 0 : index
    tpu.barrier barrier_id(%barrier3A)
    %scan3A = arith.constant 0 : i32
    %scan3A_5 = arith.constant 0 : i32
    %scan3A_6 = arith.constant 160 : i32
    %scan3A_7 = arith.addi %scan3A_5, %scan3A_6 : i32
    %scan3A_8 = arith.constant 1 : i32
    scf.for %scan3A_11 = %scan3A_5 to %scan3A_7 step %scan3A_8  : i32 {
      %dma_start3A = arith.constant 0 : i32
      %dma_start3A_12 = tpu.memref_slice %arg7[%scan3A_11, %dma_start3A] : memref<160x128xi32, #tpu.memory_space<vmem>> -> memref<1x128xi32, #tpu.memory_space<vmem>>
      %dma_start3A_13 = tpu.memref_squeeze %dma_start3A_12 : memref<1x128xi32, #tpu.memory_space<vmem>> -> memref<128xi32, #tpu.memory_space<vmem>>
      %dma_start3A_14 = arith.constant 0 : i32
      %dma_start3A_15 = arith.constant 0 : i32
      %dma_start3A_16 = tpu.memref_slice %arg4[%dma_start3A_14, %dma_start3A_15] : memref<10240x64xf32, #tpu.memory_space<hbm>> -> memref<10240x64xf32, #tpu.memory_space<hbm>>
      tpu.enqueue_indirect_dma source(%dma_start3A_16 : memref<10240x64xf32, #tpu.memory_space<hbm>>) target(%arg9 : memref<128x64xf32, #tpu.memory_space<vmem>>) offsets(%dma_start3A_13 : memref<128xi32, #tpu.memory_space<vmem>>) semaphore(%arg11 : memref<!tpu.dma_semaphore, #tpu.memory_space<semaphore_mem>>)
      %dma_wait3A = arith.constant 0 : i32
      %dma_wait3A_17 = tpu.memref_slice %arg7[%scan3A_11, %dma_wait3A] : memref<160x128xi32, #tpu.memory_space<vmem>> -> memref<1x128xi32, #tpu.memory_space<vmem>>
      %dma_wait3A_18 = tpu.memref_squeeze %dma_wait3A_17 : memref<1x128xi32, #tpu.memory_space<vmem>> -> memref<128xi32, #tpu.memory_space<vmem>>
      %dma_wait3A_19 = arith.constant 0 : i32
      %dma_wait3A_20 = arith.constant 0 : i32
      %dma_wait3A_21 = tpu.memref_slice %arg4[%dma_wait3A_19, %dma_wait3A_20] : memref<10240x64xf32, #tpu.memory_space<hbm>> -> memref<10240x64xf32, #tpu.memory_space<hbm>>
      tpu.wait_indirect_dma semaphore(%arg11 : memref<!tpu.dma_semaphore, #tpu.memory_space<semaphore_mem>>) src(%dma_wait3A_21 : memref<10240x64xf32, #tpu.memory_space<hbm>>) dst(%arg9 : memref<128x64xf32, #tpu.memory_space<vmem>>)
      "tpu.region"() ({
        %run_scoped3A = tpu.sem_alloc : memref<!tpu.dma_semaphore, #tpu.memory_space<semaphore_mem>>
        %dma_start3A_22 = arith.constant 0 : i32
        %dma_start3A_23 = tpu.memref_slice %arg8[%scan3A_11, %dma_start3A_22] : memref<160x128xi32, #tpu.memory_space<vmem>> -> memref<1x128xi32, #tpu.memory_space<vmem>>
        %dma_start3A_24 = tpu.memref_squeeze %dma_start3A_23 : memref<1x128xi32, #tpu.memory_space<vmem>> -> memref<128xi32, #tpu.memory_space<vmem>>
        %dma_start3A_25 = arith.constant 0 : i32
        %dma_start3A_26 = arith.constant 0 : i32
        %dma_start3A_27 = tpu.memref_slice %arg10[%dma_start3A_25, %dma_start3A_26] : memref<10240x64xf32, #tpu.memory_space<vmem_shared>> -> memref<10240x64xf32, #tpu.memory_space<vmem_shared>>
        tpu.enqueue_indirect_dma source(%arg9 : memref<128x64xf32, #tpu.memory_space<vmem>>) target(%dma_start3A_27 : memref<10240x64xf32, #tpu.memory_space<vmem_shared>>) offsets(%dma_start3A_24 : memref<128xi32, #tpu.memory_space<vmem>>) semaphore(%run_scoped3A : memref<!tpu.dma_semaphore, #tpu.memory_space<semaphore_mem>>) {add = true}
        %dma_wait3A_28 = arith.constant 0 : i32
        %dma_wait3A_29 = tpu.memref_slice %arg8[%scan3A_11, %dma_wait3A_28] : memref<160x128xi32, #tpu.memory_space<vmem>> -> memref<1x128xi32, #tpu.memory_space<vmem>>
        %dma_wait3A_30 = tpu.memref_squeeze %dma_wait3A_29 : memref<1x128xi32, #tpu.memory_space<vmem>> -> memref<128xi32, #tpu.memory_space<vmem>>
        %dma_wait3A_31 = arith.constant 0 : i32
        %dma_wait3A_32 = arith.constant 0 : i32
        %dma_wait3A_33 = tpu.memref_slice %arg10[%dma_wait3A_31, %dma_wait3A_32] : memref<10240x64xf32, #tpu.memory_space<vmem_shared>> -> memref<10240x64xf32, #tpu.memory_space<vmem_shared>>
        tpu.wait_indirect_dma semaphore(%run_scoped3A : memref<!tpu.dma_semaphore, #tpu.memory_space<semaphore_mem>>) src(%arg9 : memref<128x64xf32, #tpu.memory_space<vmem>>) dst(%dma_wait3A_33 : memref<10240x64xf32, #tpu.memory_space<vmem_shared>>)
        tpu.yield
      }) : () -> ()
    }
    %scan3A_9 = arith.constant 160 : i32
    %barrier3A_10 = arith.constant 0 : index
    tpu.barrier barrier_id(%barrier3A_10)
    "tpu.region"() ({
      %run_scoped3A = tpu.sem_alloc : memref<!tpu.dma_semaphore, #tpu.memory_space<semaphore_mem>>
      %dma_start3A = arith.constant 0 : i32
      %dma_start3A_11 = tpu.memref_slice %arg6[%arg0, %mul3A_0, %dma_start3A] : memref<2x10240x64xf32, #tpu.memory_space<hbm>> -> memref<1x640x64xf32, #tpu.memory_space<hbm>>
      %dma_start3A_12 = tpu.memref_squeeze %dma_start3A_11 : memref<1x640x64xf32, #tpu.memory_space<hbm>> -> memref<640x64xf32, #tpu.memory_space<hbm>>
      %dma_start3A_13 = arith.constant 0 : i32
      %dma_start3A_14 = tpu.memref_slice %arg10[%mul3A_0, %dma_start3A_13] : memref<10240x64xf32, #tpu.memory_space<vmem_shared>> -> memref<640x64xf32, #tpu.memory_space<vmem_shared>>
      tpu.enqueue_dma source(%dma_start3A_14 : memref<640x64xf32, #tpu.memory_space<vmem_shared>>) target(%dma_start3A_12 : memref<640x64xf32, #tpu.memory_space<hbm>>) target_semaphore(%run_scoped3A : memref<!tpu.dma_semaphore, #tpu.memory_space<semaphore_mem>>)
      %dma_wait3A = arith.constant 0 : i32
      %dma_wait3A_15 = tpu.memref_slice %arg6[%arg0, %mul3A_0, %dma_wait3A] : memref<2x10240x64xf32, #tpu.memory_space<hbm>> -> memref<1x640x64xf32, #tpu.memory_space<hbm>>
      %dma_wait3A_16 = tpu.memref_squeeze %dma_wait3A_15 : memref<1x640x64xf32, #tpu.memory_space<hbm>> -> memref<640x64xf32, #tpu.memory_space<hbm>>
      %dma_wait3A_17 = arith.constant 0 : i32
      %dma_wait3A_18 = tpu.memref_slice %arg10[%mul3A_0, %dma_wait3A_17] : memref<10240x64xf32, #tpu.memory_space<vmem_shared>> -> memref<640x64xf32, #tpu.memory_space<vmem_shared>>
      tpu.wait_dma2 semaphore(%run_scoped3A : memref<!tpu.dma_semaphore, #tpu.memory_space<semaphore_mem>>) src(%dma_wait3A_18 : memref<640x64xf32, #tpu.memory_space<vmem_shared>>) dst(%dma_wait3A_16 : memref<640x64xf32, #tpu.memory_space<hbm>>)
      tpu.yield
    }) : () -> ()
    return
  }
}

#map = affine_map<(d0, d1) -> (0, 0, 0)>
#map1 = affine_map<(d0, d1) -> (0, 0)>
module attributes {stable_mosaic.version = 14 : i64} {
  func.func @_sc_pass(%arg0: i32, %arg1: i32, %arg2: memref<2x2560x128xi32, #tpu.memory_space<hbm>>, %arg3: memref<2x2560x128xi32, #tpu.memory_space<hbm>>, %arg4: memref<10240x96xf32, #tpu.memory_space<hbm>>, %arg5: memref<640x96xf32, #tpu.memory_space<hbm>>, %arg6: memref<2x10240x96xf32, #tpu.memory_space<hbm>>, %arg7: memref<160x128xi32, #tpu.memory_space<vmem>>, %arg8: memref<160x128xi32, #tpu.memory_space<vmem>>, %arg9: memref<128x96xf32, #tpu.memory_space<vmem>>, %arg10: memref<10240x96xf32, #tpu.memory_space<vmem_shared>>, %arg11: memref<!tpu.dma_semaphore, #tpu.memory_space<semaphore_mem>>) attributes {dimension_semantics = [#tpu.dimension_semantics<core_parallel>, #tpu.dimension_semantics<subcore_parallel>], iteration_bounds = array<i64: 2, 16>, scalar_prefetch = 0 : i64, scratch_operands = 5 : i64, tpu.core_type = #tpu.core_type<sc_vector_subcore>, window_params = [{transform_indices = #map}, {transform_indices = #map}, {transform_indices = #map1}, {transform_indices = #map1}, {transform_indices = #map}]} {
    %mul3A = arith.constant 640 : i32
    %mul3A_0 = arith.muli %arg1, %mul3A : i32
    "tpu.region"() ({
      %run_scoped3A = tpu.sem_alloc : memref<!tpu.dma_semaphore, #tpu.memory_space<semaphore_mem>>
      %dma_start3A = arith.constant 0 : i32
      %dma_start3A_11 = tpu.memref_slice %arg10[%mul3A_0, %dma_start3A] : memref<10240x96xf32, #tpu.memory_space<vmem_shared>> -> memref<640x96xf32, #tpu.memory_space<vmem_shared>>
      tpu.enqueue_dma source(%arg5 : memref<640x96xf32, #tpu.memory_space<hbm>>) target(%dma_start3A_11 : memref<640x96xf32, #tpu.memory_space<vmem_shared>>) target_semaphore(%run_scoped3A : memref<!tpu.dma_semaphore, #tpu.memory_space<semaphore_mem>>)
      %dma_wait3A = arith.constant 0 : i32
      %dma_wait3A_12 = tpu.memref_slice %arg10[%mul3A_0, %dma_wait3A] : memref<10240x96xf32, #tpu.memory_space<vmem_shared>> -> memref<640x96xf32, #tpu.memory_space<vmem_shared>>
      tpu.wait_dma2 semaphore(%run_scoped3A : memref<!tpu.dma_semaphore, #tpu.memory_space<semaphore_mem>>) src(%arg5 : memref<640x96xf32, #tpu.memory_space<hbm>>) dst(%dma_wait3A_12 : memref<640x96xf32, #tpu.memory_space<vmem_shared>>)
      tpu.yield
    }) : () -> ()
    %mul3A_1 = arith.constant 160 : i32
    %mul3A_2 = arith.muli %arg1, %mul3A_1 : i32
    "tpu.region"() ({
      %run_scoped3A = tpu.sem_alloc : memref<!tpu.dma_semaphore, #tpu.memory_space<semaphore_mem>>
      %dma_start3A = arith.constant 0 : i32
      %dma_start3A_11 = tpu.memref_slice %arg2[%arg0, %mul3A_2, %dma_start3A] : memref<2x2560x128xi32, #tpu.memory_space<hbm>> -> memref<1x160x128xi32, #tpu.memory_space<hbm>>
      %dma_start3A_12 = tpu.memref_squeeze %dma_start3A_11 : memref<1x160x128xi32, #tpu.memory_space<hbm>> -> memref<160x128xi32, #tpu.memory_space<hbm>>
      %dma_start3A_13 = arith.constant 0 : i32
      %dma_start3A_14 = tpu.memref_slice %arg2[%arg0, %mul3A_2, %dma_start3A_13] : memref<2x2560x128xi32, #tpu.memory_space<hbm>> -> memref<1x160x128xi32, #tpu.memory_space<hbm>>
      %dma_start3A_15 = tpu.memref_squeeze %dma_start3A_14 : memref<1x160x128xi32, #tpu.memory_space<hbm>> -> memref<160x128xi32, #tpu.memory_space<hbm>>
      tpu.enqueue_dma source(%dma_start3A_15 : memref<160x128xi32, #tpu.memory_space<hbm>>) target(%arg7 : memref<160x128xi32, #tpu.memory_space<vmem>>) target_semaphore(%run_scoped3A : memref<!tpu.dma_semaphore, #tpu.memory_space<semaphore_mem>>)
      %dma_wait3A = arith.constant 0 : i32
      %dma_wait3A_16 = tpu.memref_slice %arg2[%arg0, %mul3A_2, %dma_wait3A] : memref<2x2560x128xi32, #tpu.memory_space<hbm>> -> memref<1x160x128xi32, #tpu.memory_space<hbm>>
      %dma_wait3A_17 = tpu.memref_squeeze %dma_wait3A_16 : memref<1x160x128xi32, #tpu.memory_space<hbm>> -> memref<160x128xi32, #tpu.memory_space<hbm>>
      %dma_wait3A_18 = arith.constant 0 : i32
      %dma_wait3A_19 = tpu.memref_slice %arg2[%arg0, %mul3A_2, %dma_wait3A_18] : memref<2x2560x128xi32, #tpu.memory_space<hbm>> -> memref<1x160x128xi32, #tpu.memory_space<hbm>>
      %dma_wait3A_20 = tpu.memref_squeeze %dma_wait3A_19 : memref<1x160x128xi32, #tpu.memory_space<hbm>> -> memref<160x128xi32, #tpu.memory_space<hbm>>
      tpu.wait_dma2 semaphore(%run_scoped3A : memref<!tpu.dma_semaphore, #tpu.memory_space<semaphore_mem>>) src(%dma_wait3A_20 : memref<160x128xi32, #tpu.memory_space<hbm>>) dst(%arg7 : memref<160x128xi32, #tpu.memory_space<vmem>>)
      tpu.yield
    }) : () -> ()
    %mul3A_3 = arith.constant 160 : i32
    %mul3A_4 = arith.muli %arg1, %mul3A_3 : i32
    "tpu.region"() ({
      %run_scoped3A = tpu.sem_alloc : memref<!tpu.dma_semaphore, #tpu.memory_space<semaphore_mem>>
      %dma_start3A = arith.constant 0 : i32
      %dma_start3A_11 = tpu.memref_slice %arg3[%arg0, %mul3A_4, %dma_start3A] : memref<2x2560x128xi32, #tpu.memory_space<hbm>> -> memref<1x160x128xi32, #tpu.memory_space<hbm>>
      %dma_start3A_12 = tpu.memref_squeeze %dma_start3A_11 : memref<1x160x128xi32, #tpu.memory_space<hbm>> -> memref<160x128xi32, #tpu.memory_space<hbm>>
      %dma_start3A_13 = arith.constant 0 : i32
      %dma_start3A_14 = tpu.memref_slice %arg3[%arg0, %mul3A_4, %dma_start3A_13] : memref<2x2560x128xi32, #tpu.memory_space<hbm>> -> memref<1x160x128xi32, #tpu.memory_space<hbm>>
      %dma_start3A_15 = tpu.memref_squeeze %dma_start3A_14 : memref<1x160x128xi32, #tpu.memory_space<hbm>> -> memref<160x128xi32, #tpu.memory_space<hbm>>
      tpu.enqueue_dma source(%dma_start3A_15 : memref<160x128xi32, #tpu.memory_space<hbm>>) target(%arg8 : memref<160x128xi32, #tpu.memory_space<vmem>>) target_semaphore(%run_scoped3A : memref<!tpu.dma_semaphore, #tpu.memory_space<semaphore_mem>>)
      %dma_wait3A = arith.constant 0 : i32
      %dma_wait3A_16 = tpu.memref_slice %arg3[%arg0, %mul3A_4, %dma_wait3A] : memref<2x2560x128xi32, #tpu.memory_space<hbm>> -> memref<1x160x128xi32, #tpu.memory_space<hbm>>
      %dma_wait3A_17 = tpu.memref_squeeze %dma_wait3A_16 : memref<1x160x128xi32, #tpu.memory_space<hbm>> -> memref<160x128xi32, #tpu.memory_space<hbm>>
      %dma_wait3A_18 = arith.constant 0 : i32
      %dma_wait3A_19 = tpu.memref_slice %arg3[%arg0, %mul3A_4, %dma_wait3A_18] : memref<2x2560x128xi32, #tpu.memory_space<hbm>> -> memref<1x160x128xi32, #tpu.memory_space<hbm>>
      %dma_wait3A_20 = tpu.memref_squeeze %dma_wait3A_19 : memref<1x160x128xi32, #tpu.memory_space<hbm>> -> memref<160x128xi32, #tpu.memory_space<hbm>>
      tpu.wait_dma2 semaphore(%run_scoped3A : memref<!tpu.dma_semaphore, #tpu.memory_space<semaphore_mem>>) src(%dma_wait3A_20 : memref<160x128xi32, #tpu.memory_space<hbm>>) dst(%arg8 : memref<160x128xi32, #tpu.memory_space<vmem>>)
      tpu.yield
    }) : () -> ()
    %barrier3A = arith.constant 0 : index
    tpu.barrier barrier_id(%barrier3A)
    %scan3A = arith.constant 0 : i32
    %scan3A_5 = arith.constant 0 : i32
    %scan3A_6 = arith.constant 160 : i32
    %scan3A_7 = arith.addi %scan3A_5, %scan3A_6 : i32
    %scan3A_8 = arith.constant 1 : i32
    scf.for %scan3A_11 = %scan3A_5 to %scan3A_7 step %scan3A_8  : i32 {
      %dma_start3A = arith.constant 0 : i32
      %dma_start3A_12 = tpu.memref_slice %arg7[%scan3A_11, %dma_start3A] : memref<160x128xi32, #tpu.memory_space<vmem>> -> memref<1x128xi32, #tpu.memory_space<vmem>>
      %dma_start3A_13 = tpu.memref_squeeze %dma_start3A_12 : memref<1x128xi32, #tpu.memory_space<vmem>> -> memref<128xi32, #tpu.memory_space<vmem>>
      %dma_start3A_14 = arith.constant 0 : i32
      %dma_start3A_15 = arith.constant 0 : i32
      %dma_start3A_16 = tpu.memref_slice %arg4[%dma_start3A_14, %dma_start3A_15] : memref<10240x96xf32, #tpu.memory_space<hbm>> -> memref<10240x96xf32, #tpu.memory_space<hbm>>
      tpu.enqueue_indirect_dma source(%dma_start3A_16 : memref<10240x96xf32, #tpu.memory_space<hbm>>) target(%arg9 : memref<128x96xf32, #tpu.memory_space<vmem>>) offsets(%dma_start3A_13 : memref<128xi32, #tpu.memory_space<vmem>>) semaphore(%arg11 : memref<!tpu.dma_semaphore, #tpu.memory_space<semaphore_mem>>)
      %dma_wait3A = arith.constant 0 : i32
      %dma_wait3A_17 = tpu.memref_slice %arg7[%scan3A_11, %dma_wait3A] : memref<160x128xi32, #tpu.memory_space<vmem>> -> memref<1x128xi32, #tpu.memory_space<vmem>>
      %dma_wait3A_18 = tpu.memref_squeeze %dma_wait3A_17 : memref<1x128xi32, #tpu.memory_space<vmem>> -> memref<128xi32, #tpu.memory_space<vmem>>
      %dma_wait3A_19 = arith.constant 0 : i32
      %dma_wait3A_20 = arith.constant 0 : i32
      %dma_wait3A_21 = tpu.memref_slice %arg4[%dma_wait3A_19, %dma_wait3A_20] : memref<10240x96xf32, #tpu.memory_space<hbm>> -> memref<10240x96xf32, #tpu.memory_space<hbm>>
      tpu.wait_indirect_dma semaphore(%arg11 : memref<!tpu.dma_semaphore, #tpu.memory_space<semaphore_mem>>) src(%dma_wait3A_21 : memref<10240x96xf32, #tpu.memory_space<hbm>>) dst(%arg9 : memref<128x96xf32, #tpu.memory_space<vmem>>)
      "tpu.region"() ({
        %run_scoped3A = tpu.sem_alloc : memref<!tpu.dma_semaphore, #tpu.memory_space<semaphore_mem>>
        %dma_start3A_22 = arith.constant 0 : i32
        %dma_start3A_23 = tpu.memref_slice %arg8[%scan3A_11, %dma_start3A_22] : memref<160x128xi32, #tpu.memory_space<vmem>> -> memref<1x128xi32, #tpu.memory_space<vmem>>
        %dma_start3A_24 = tpu.memref_squeeze %dma_start3A_23 : memref<1x128xi32, #tpu.memory_space<vmem>> -> memref<128xi32, #tpu.memory_space<vmem>>
        %dma_start3A_25 = arith.constant 0 : i32
        %dma_start3A_26 = arith.constant 0 : i32
        %dma_start3A_27 = tpu.memref_slice %arg10[%dma_start3A_25, %dma_start3A_26] : memref<10240x96xf32, #tpu.memory_space<vmem_shared>> -> memref<10240x96xf32, #tpu.memory_space<vmem_shared>>
        tpu.enqueue_indirect_dma source(%arg9 : memref<128x96xf32, #tpu.memory_space<vmem>>) target(%dma_start3A_27 : memref<10240x96xf32, #tpu.memory_space<vmem_shared>>) offsets(%dma_start3A_24 : memref<128xi32, #tpu.memory_space<vmem>>) semaphore(%run_scoped3A : memref<!tpu.dma_semaphore, #tpu.memory_space<semaphore_mem>>) {add = true}
        %dma_wait3A_28 = arith.constant 0 : i32
        %dma_wait3A_29 = tpu.memref_slice %arg8[%scan3A_11, %dma_wait3A_28] : memref<160x128xi32, #tpu.memory_space<vmem>> -> memref<1x128xi32, #tpu.memory_space<vmem>>
        %dma_wait3A_30 = tpu.memref_squeeze %dma_wait3A_29 : memref<1x128xi32, #tpu.memory_space<vmem>> -> memref<128xi32, #tpu.memory_space<vmem>>
        %dma_wait3A_31 = arith.constant 0 : i32
        %dma_wait3A_32 = arith.constant 0 : i32
        %dma_wait3A_33 = tpu.memref_slice %arg10[%dma_wait3A_31, %dma_wait3A_32] : memref<10240x96xf32, #tpu.memory_space<vmem_shared>> -> memref<10240x96xf32, #tpu.memory_space<vmem_shared>>
        tpu.wait_indirect_dma semaphore(%run_scoped3A : memref<!tpu.dma_semaphore, #tpu.memory_space<semaphore_mem>>) src(%arg9 : memref<128x96xf32, #tpu.memory_space<vmem>>) dst(%dma_wait3A_33 : memref<10240x96xf32, #tpu.memory_space<vmem_shared>>)
        tpu.yield
      }) : () -> ()
    }
    %scan3A_9 = arith.constant 160 : i32
    %barrier3A_10 = arith.constant 0 : index
    tpu.barrier barrier_id(%barrier3A_10)
    "tpu.region"() ({
      %run_scoped3A = tpu.sem_alloc : memref<!tpu.dma_semaphore, #tpu.memory_space<semaphore_mem>>
      %dma_start3A = arith.constant 0 : i32
      %dma_start3A_11 = tpu.memref_slice %arg6[%arg0, %mul3A_0, %dma_start3A] : memref<2x10240x96xf32, #tpu.memory_space<hbm>> -> memref<1x640x96xf32, #tpu.memory_space<hbm>>
      %dma_start3A_12 = tpu.memref_squeeze %dma_start3A_11 : memref<1x640x96xf32, #tpu.memory_space<hbm>> -> memref<640x96xf32, #tpu.memory_space<hbm>>
      %dma_start3A_13 = arith.constant 0 : i32
      %dma_start3A_14 = tpu.memref_slice %arg10[%mul3A_0, %dma_start3A_13] : memref<10240x96xf32, #tpu.memory_space<vmem_shared>> -> memref<640x96xf32, #tpu.memory_space<vmem_shared>>
      tpu.enqueue_dma source(%dma_start3A_14 : memref<640x96xf32, #tpu.memory_space<vmem_shared>>) target(%dma_start3A_12 : memref<640x96xf32, #tpu.memory_space<hbm>>) target_semaphore(%run_scoped3A : memref<!tpu.dma_semaphore, #tpu.memory_space<semaphore_mem>>)
      %dma_wait3A = arith.constant 0 : i32
      %dma_wait3A_15 = tpu.memref_slice %arg6[%arg0, %mul3A_0, %dma_wait3A] : memref<2x10240x96xf32, #tpu.memory_space<hbm>> -> memref<1x640x96xf32, #tpu.memory_space<hbm>>
      %dma_wait3A_16 = tpu.memref_squeeze %dma_wait3A_15 : memref<1x640x96xf32, #tpu.memory_space<hbm>> -> memref<640x96xf32, #tpu.memory_space<hbm>>
      %dma_wait3A_17 = arith.constant 0 : i32
      %dma_wait3A_18 = tpu.memref_slice %arg10[%mul3A_0, %dma_wait3A_17] : memref<10240x96xf32, #tpu.memory_space<vmem_shared>> -> memref<640x96xf32, #tpu.memory_space<vmem_shared>>
      tpu.wait_dma2 semaphore(%run_scoped3A : memref<!tpu.dma_semaphore, #tpu.memory_space<semaphore_mem>>) src(%dma_wait3A_18 : memref<640x96xf32, #tpu.memory_space<vmem_shared>>) dst(%dma_wait3A_16 : memref<640x96xf32, #tpu.memory_space<hbm>>)
      tpu.yield
    }) : () -> ()
    return
  }
}

module attributes {stable_mosaic.version = 14 : i64} {
  func.func @_tc_a_body(%arg0: i32, %arg1: memref<1000x128xf32, #tpu.memory_space<vmem>>, %arg2: memref<1000x128xf32, #tpu.memory_space<vmem>>, %arg3: memref<1000x16xf32, #tpu.memory_space<vmem>>, %arg4: memref<1000x16xf32, #tpu.memory_space<vmem>>, %arg5: memref<128x32xf32, #tpu.memory_space<vmem>>, %arg6: memref<1x32xf32, #tpu.memory_space<vmem>>, %arg7: memref<128x32xf32, #tpu.memory_space<vmem>>, %arg8: memref<1x32xf32, #tpu.memory_space<vmem>>, %arg9: memref<32x32xf32, #tpu.memory_space<vmem>>, %arg10: memref<32x32xf32, #tpu.memory_space<vmem>>, %arg11: memref<1000x64xf32, #tpu.memory_space<vmem>>, %arg12: memref<2x1000x32xf32, #tpu.memory_space<vmem>>, %arg13: memref<2x1000x8xf32, #tpu.memory_space<vmem>>) attributes {dimension_semantics = [#tpu.dimension_semantics<arbitrary>], iteration_bounds = array<i64: 10>, scalar_prefetch = 0 : i64, scratch_operands = 0 : i64, tpu.core_type = #tpu.core_type<tc>, window_params = [{transform_indices = @transform_0, window_bounds = array<i64: 1000, 128>}, {transform_indices = @transform_1, window_bounds = array<i64: 1000, 128>}, {transform_indices = @transform_2, window_bounds = array<i64: 1000, 16>}, {transform_indices = @transform_3, window_bounds = array<i64: 1000, 16>}, {pipeline_mode = #tpu.pipeline_mode<synchronous>, transform_indices = @transform_4, window_bounds = array<i64: 128, 32>}, {pipeline_mode = #tpu.pipeline_mode<synchronous>, transform_indices = @transform_5, window_bounds = array<i64: 1, 32>}, {pipeline_mode = #tpu.pipeline_mode<synchronous>, transform_indices = @transform_6, window_bounds = array<i64: 128, 32>}, {pipeline_mode = #tpu.pipeline_mode<synchronous>, transform_indices = @transform_7, window_bounds = array<i64: 1, 32>}, {pipeline_mode = #tpu.pipeline_mode<synchronous>, transform_indices = @transform_8, window_bounds = array<i64: 32, 32>}, {pipeline_mode = #tpu.pipeline_mode<synchronous>, transform_indices = @transform_9, window_bounds = array<i64: 32, 32>}, {transform_indices = @transform_10, window_bounds = array<i64: 1000, 64>}, {transform_indices = @transform_11, window_bounds = array<i64: 2, 1000, 32>}, {transform_indices = @transform_12, window_bounds = array<i64: 2, 1000, 8>}]} {
    %get3A = arith.constant 0 : index
    %get3A_0 = arith.constant 0 : index
    %get3A_1 = vector.load %arg3[%get3A, %get3A_0] : memref<1000x16xf32, #tpu.memory_space<vmem>>, vector<1000x1xf32>
    %add3A = arith.constant 1.000000e+00 : f32
    %add3A_2 = vector.broadcast %add3A : f32 to vector<1000x1xf32>
    %add3A_3 = arith.addf %get3A_1, %add3A_2 : vector<1000x1xf32>
    %rsqrt3A = math.rsqrt %add3A_3 : vector<1000x1xf32>
    %get3A_4 = arith.constant 0 : index
    %get3A_5 = arith.constant 0 : index
    %get3A_6 = vector.load %arg4[%get3A_4, %get3A_5] : memref<1000x16xf32, #tpu.memory_space<vmem>>, vector<1000x1xf32>
    %add3A_7 = arith.constant 1.000000e+00 : f32
    %add3A_8 = vector.broadcast %add3A_7 : f32 to vector<1000x1xf32>
    %add3A_9 = arith.addf %get3A_6, %add3A_8 : vector<1000x1xf32>
    %rsqrt3A_10 = math.rsqrt %add3A_9 : vector<1000x1xf32>
    %get3A_11 = arith.constant 0 : index
    %get3A_12 = arith.constant 0 : index
    %get3A_13 = vector.load %arg1[%get3A_11, %get3A_12] : memref<1000x128xf32, #tpu.memory_space<vmem>>, vector<1000x128xf32>
    %get3A_14 = arith.constant 0 : index
    %get3A_15 = arith.constant 0 : index
    %get3A_16 = vector.load %arg5[%get3A_14, %get3A_15] : memref<128x32xf32, #tpu.memory_space<vmem>>, vector<128x32xf32>
    %dot_general3A = arith.constant dense<0.000000e+00> : vector<1000x32xf32>
    %dot_general3A_17 = tpu.matmul %get3A_13, %get3A_16, %dot_general3A {dimension_numbers = #tpu.dot_dimension_numbers<[1], [0], [0], [1], [0, 0, 1, 1], [], []>, precision = #tpu.contract_precision<fp32>, transpose_lhs_hint = false} : vector<1000x128xf32>, vector<128x32xf32>, vector<1000x32xf32> -> vector<1000x32xf32>
    %get3A_18 = arith.constant 0 : index
    %get3A_19 = arith.constant 0 : index
    %get3A_20 = vector.load %arg6[%get3A_18, %get3A_19] : memref<1x32xf32, #tpu.memory_space<vmem>>, vector<1x32xf32>
    %add3A_21 = vector.broadcast %get3A_20 : vector<1x32xf32> to vector<1000x32xf32>
    %add3A_22 = arith.addf %dot_general3A_17, %add3A_21 : vector<1000x32xf32>
    %max3A = arith.constant 0.000000e+00 : f32
    %max3A_23 = vector.broadcast %max3A : f32 to vector<1000x32xf32>
    %max3A_24 = arith.maximumf %add3A_22, %max3A_23 : vector<1000x32xf32>
    %get3A_25 = arith.constant 0 : index
    %get3A_26 = arith.constant 0 : index
    %get3A_27 = vector.load %arg9[%get3A_25, %get3A_26] : memref<32x32xf32, #tpu.memory_space<vmem>>, vector<32x32xf32>
    %dot_general3A_28 = arith.constant dense<0.000000e+00> : vector<1000x32xf32>
    %dot_general3A_29 = tpu.matmul %max3A_24, %get3A_27, %dot_general3A_28 {dimension_numbers = #tpu.dot_dimension_numbers<[1], [0], [0], [1], [0, 0, 1, 1], [], []>, precision = #tpu.contract_precision<fp32>, transpose_lhs_hint = false} : vector<1000x32xf32>, vector<32x32xf32>, vector<1000x32xf32> -> vector<1000x32xf32>
    %get3A_30 = arith.constant 0 : index
    %get3A_31 = arith.constant 0 : index
    %get3A_32 = vector.load %arg2[%get3A_30, %get3A_31] : memref<1000x128xf32, #tpu.memory_space<vmem>>, vector<1000x128xf32>
    %get3A_33 = arith.constant 0 : index
    %get3A_34 = arith.constant 0 : index
    %get3A_35 = vector.load %arg7[%get3A_33, %get3A_34] : memref<128x32xf32, #tpu.memory_space<vmem>>, vector<128x32xf32>
    %dot_general3A_36 = arith.constant dense<0.000000e+00> : vector<1000x32xf32>
    %dot_general3A_37 = tpu.matmul %get3A_32, %get3A_35, %dot_general3A_36 {dimension_numbers = #tpu.dot_dimension_numbers<[1], [0], [0], [1], [0, 0, 1, 1], [], []>, precision = #tpu.contract_precision<fp32>, transpose_lhs_hint = false} : vector<1000x128xf32>, vector<128x32xf32>, vector<1000x32xf32> -> vector<1000x32xf32>
    %get3A_38 = arith.constant 0 : index
    %get3A_39 = arith.constant 0 : index
    %get3A_40 = vector.load %arg8[%get3A_38, %get3A_39] : memref<1x32xf32, #tpu.memory_space<vmem>>, vector<1x32xf32>
    %add3A_41 = vector.broadcast %get3A_40 : vector<1x32xf32> to vector<1000x32xf32>
    %add3A_42 = arith.addf %dot_general3A_37, %add3A_41 : vector<1000x32xf32>
    %max3A_43 = arith.constant 0.000000e+00 : f32
    %max3A_44 = vector.broadcast %max3A_43 : f32 to vector<1000x32xf32>
    %max3A_45 = arith.maximumf %add3A_42, %max3A_44 : vector<1000x32xf32>
    %get3A_46 = arith.constant 0 : index
    %get3A_47 = arith.constant 0 : index
    %get3A_48 = vector.load %arg10[%get3A_46, %get3A_47] : memref<32x32xf32, #tpu.memory_space<vmem>>, vector<32x32xf32>
    %dot_general3A_49 = arith.constant dense<0.000000e+00> : vector<1000x32xf32>
    %dot_general3A_50 = tpu.matmul %max3A_45, %get3A_48, %dot_general3A_49 {dimension_numbers = #tpu.dot_dimension_numbers<[1], [0], [0], [1], [0, 0, 1, 1], [], []>, precision = #tpu.contract_precision<fp32>, transpose_lhs_hint = false} : vector<1000x32xf32>, vector<32x32xf32>, vector<1000x32xf32> -> vector<1000x32xf32>
    %mul3A = vector.broadcast %rsqrt3A : vector<1000x1xf32> to vector<1000x32xf32>
    %mul3A_51 = arith.mulf %mul3A, %dot_general3A_29 : vector<1000x32xf32>
    %mul3A_52 = vector.broadcast %rsqrt3A_10 : vector<1000x1xf32> to vector<1000x32xf32>
    %mul3A_53 = arith.mulf %mul3A_52, %dot_general3A_50 : vector<1000x32xf32>
    %concatenate3A = tpu.concatenate %mul3A_51, %mul3A_53 in 1 : vector<1000x32xf32>, vector<1000x32xf32> -> vector<1000x64xf32>
    %swap3A = arith.constant 0 : index
    %swap3A_54 = arith.constant 0 : index
    %swap3A_55 = vector.load %arg11[%swap3A, %swap3A_54] : memref<1000x64xf32, #tpu.memory_space<vmem>>, vector<1000x64xf32>
    tpu.vector_store %arg11[%swap3A, %swap3A_54], %concatenate3A {strides = array<i32>} : memref<1000x64xf32, #tpu.memory_space<vmem>>, vector<1000x64xf32>,
    %mul3A_56 = arith.mulf %rsqrt3A, %rsqrt3A : vector<1000x1xf32>
    %mul3A_57 = vector.broadcast %mul3A_56 : vector<1000x1xf32> to vector<1000x32xf32>
    %mul3A_58 = arith.mulf %mul3A_57, %dot_general3A_29 : vector<1000x32xf32>
    %swap3A_59 = arith.constant 0 : index
    %swap3A_60 = arith.constant 0 : index
    %swap3A_61 = arith.constant 0 : index
    %swap3A_62 = vector.load %arg12[%swap3A_59, %swap3A_60, %swap3A_61] : memref<2x1000x32xf32, #tpu.memory_space<vmem>>, vector<1x1000x32xf32>
    %swap3A_63 = vector.shape_cast %swap3A_62 : vector<1x1000x32xf32> to vector<1000x32xf32>
    %swap3A_64 = vector.shape_cast %mul3A_58 : vector<1000x32xf32> to vector<1x1000x32xf32>
    tpu.vector_store %arg12[%swap3A_59, %swap3A_60, %swap3A_61], %swap3A_64 {strides = array<i32>} : memref<2x1000x32xf32, #tpu.memory_space<vmem>>, vector<1x1000x32xf32>,
    %mul3A_65 = arith.mulf %rsqrt3A_10, %rsqrt3A_10 : vector<1000x1xf32>
    %mul3A_66 = vector.broadcast %mul3A_65 : vector<1000x1xf32> to vector<1000x32xf32>
    %mul3A_67 = arith.mulf %mul3A_66, %dot_general3A_50 : vector<1000x32xf32>
    %swap3A_68 = arith.constant 1 : index
    %swap3A_69 = arith.constant 0 : index
    %swap3A_70 = arith.constant 0 : index
    %swap3A_71 = vector.load %arg12[%swap3A_68, %swap3A_69, %swap3A_70] : memref<2x1000x32xf32, #tpu.memory_space<vmem>>, vector<1x1000x32xf32>
    %swap3A_72 = vector.shape_cast %swap3A_71 : vector<1x1000x32xf32> to vector<1000x32xf32>
    %swap3A_73 = vector.shape_cast %mul3A_67 : vector<1000x32xf32> to vector<1x1000x32xf32>
    tpu.vector_store %arg12[%swap3A_68, %swap3A_69, %swap3A_70], %swap3A_73 {strides = array<i32>} : memref<2x1000x32xf32, #tpu.memory_space<vmem>>, vector<1x1000x32xf32>,
    %broadcast_in_dim3A = vector.shape_cast %rsqrt3A : vector<1000x1xf32> to vector<1000x1xf32>
    %broadcast_in_dim3A_74 = vector.broadcast %broadcast_in_dim3A : vector<1000x1xf32> to vector<1000x8xf32>
    %swap3A_75 = arith.constant 0 : index
    %swap3A_76 = arith.constant 0 : index
    %swap3A_77 = arith.constant 0 : index
    %swap3A_78 = vector.load %arg13[%swap3A_75, %swap3A_76, %swap3A_77] : memref<2x1000x8xf32, #tpu.memory_space<vmem>>, vector<1x1000x8xf32>
    %swap3A_79 = vector.shape_cast %swap3A_78 : vector<1x1000x8xf32> to vector<1000x8xf32>
    %swap3A_80 = vector.shape_cast %broadcast_in_dim3A_74 : vector<1000x8xf32> to vector<1x1000x8xf32>
    tpu.vector_store %arg13[%swap3A_75, %swap3A_76, %swap3A_77], %swap3A_80 {strides = array<i32>} : memref<2x1000x8xf32, #tpu.memory_space<vmem>>, vector<1x1000x8xf32>,
    %broadcast_in_dim3A_81 = vector.shape_cast %rsqrt3A_10 : vector<1000x1xf32> to vector<1000x1xf32>
    %broadcast_in_dim3A_82 = vector.broadcast %broadcast_in_dim3A_81 : vector<1000x1xf32> to vector<1000x8xf32>
    %swap3A_83 = arith.constant 1 : index
    %swap3A_84 = arith.constant 0 : index
    %swap3A_85 = arith.constant 0 : index
    %swap3A_86 = vector.load %arg13[%swap3A_83, %swap3A_84, %swap3A_85] : memref<2x1000x8xf32, #tpu.memory_space<vmem>>, vector<1x1000x8xf32>
    %swap3A_87 = vector.shape_cast %swap3A_86 : vector<1x1000x8xf32> to vector<1000x8xf32>
    %swap3A_88 = vector.shape_cast %broadcast_in_dim3A_82 : vector<1000x8xf32> to vector<1x1000x8xf32>
    tpu.vector_store %arg13[%swap3A_83, %swap3A_84, %swap3A_85], %swap3A_88 {strides = array<i32>} : memref<2x1000x8xf32, #tpu.memory_space<vmem>>, vector<1x1000x8xf32>,
    return
  }
  func.func @transform_0(%arg0: i32) -> (i32, i32) {
    %c0_i32 = arith.constant 0 : i32
    %c0_i32_0 = arith.constant 0 : i32
    return %arg0, %c0_i32 : i32, i32
  }
  func.func @transform_1(%arg0: i32) -> (i32, i32) {
    %c0_i32 = arith.constant 0 : i32
    %c0_i32_0 = arith.constant 0 : i32
    return %arg0, %c0_i32 : i32, i32
  }
  func.func @transform_2(%arg0: i32) -> (i32, i32) {
    %c0_i32 = arith.constant 0 : i32
    %c0_i32_0 = arith.constant 0 : i32
    return %arg0, %c0_i32 : i32, i32
  }
  func.func @transform_3(%arg0: i32) -> (i32, i32) {
    %c0_i32 = arith.constant 0 : i32
    %c0_i32_0 = arith.constant 0 : i32
    return %arg0, %c0_i32 : i32, i32
  }
  func.func @transform_4(%arg0: i32) -> (i32, i32) {
    %c0_i32 = arith.constant 0 : i32
    %c0_i32_0 = arith.constant 0 : i32
    %c0_i32_1 = arith.constant 0 : i32
    return %c0_i32, %c0_i32_0 : i32, i32
  }
  func.func @transform_5(%arg0: i32) -> (i32, i32) {
    %c0_i32 = arith.constant 0 : i32
    %c0_i32_0 = arith.constant 0 : i32
    %c0_i32_1 = arith.constant 0 : i32
    return %c0_i32, %c0_i32_0 : i32, i32
  }
  func.func @transform_6(%arg0: i32) -> (i32, i32) {
    %c0_i32 = arith.constant 0 : i32
    %c0_i32_0 = arith.constant 0 : i32
    %c0_i32_1 = arith.constant 0 : i32
    return %c0_i32, %c0_i32_0 : i32, i32
  }
  func.func @transform_7(%arg0: i32) -> (i32, i32) {
    %c0_i32 = arith.constant 0 : i32
    %c0_i32_0 = arith.constant 0 : i32
    %c0_i32_1 = arith.constant 0 : i32
    return %c0_i32, %c0_i32_0 : i32, i32
  }
  func.func @transform_8(%arg0: i32) -> (i32, i32) {
    %c0_i32 = arith.constant 0 : i32
    %c0_i32_0 = arith.constant 0 : i32
    %c0_i32_1 = arith.constant 0 : i32
    return %c0_i32, %c0_i32_0 : i32, i32
  }
  func.func @transform_9(%arg0: i32) -> (i32, i32) {
    %c0_i32 = arith.constant 0 : i32
    %c0_i32_0 = arith.constant 0 : i32
    %c0_i32_1 = arith.constant 0 : i32
    return %c0_i32, %c0_i32_0 : i32, i32
  }
  func.func @transform_10(%arg0: i32) -> (i32, i32) {
    %c0_i32 = arith.constant 0 : i32
    %c0_i32_0 = arith.constant 0 : i32
    return %arg0, %c0_i32 : i32, i32
  }
  func.func @transform_11(%arg0: i32) -> (i32, i32, i32) {
    %c0_i32 = arith.constant 0 : i32
    %c0_i32_0 = arith.constant 0 : i32
    %c0_i32_1 = arith.constant 0 : i32
    return %c0_i32, %arg0, %c0_i32_0 : i32, i32, i32
  }
  func.func @transform_12(%arg0: i32) -> (i32, i32, i32) {
    %c0_i32 = arith.constant 0 : i32
    %c0_i32_0 = arith.constant 0 : i32
    %c0_i32_1 = arith.constant 0 : i32
    return %c0_i32, %arg0, %c0_i32_0 : i32, i32, i32
  }
}

module attributes {stable_mosaic.version = 14 : i64} {
  func.func @_tc_b_body(%arg0: i32, %arg1: memref<2x1000x64xf32, #tpu.memory_space<vmem>>, %arg2: memref<2x1000x32xf32, #tpu.memory_space<vmem>>, %arg3: memref<2x1000x8xf32, #tpu.memory_space<vmem>>, %arg4: memref<1x32xf32, #tpu.memory_space<vmem>>, %arg5: memref<1x32xf32, #tpu.memory_space<vmem>>, %arg6: memref<32x48xf32, #tpu.memory_space<vmem>>, %arg7: memref<32x48xf32, #tpu.memory_space<vmem>>, %arg8: memref<1000x96xf32, #tpu.memory_space<vmem>>, %arg9: memref<2x1000x48xf32, #tpu.memory_space<vmem>>) attributes {dimension_semantics = [#tpu.dimension_semantics<arbitrary>], iteration_bounds = array<i64: 10>, scalar_prefetch = 0 : i64, scratch_operands = 0 : i64, tpu.core_type = #tpu.core_type<tc>, window_params = [{transform_indices = @transform_0, window_bounds = array<i64: 2, 1000, 64>}, {transform_indices = @transform_1, window_bounds = array<i64: 2, 1000, 32>}, {transform_indices = @transform_2, window_bounds = array<i64: 2, 1000, 8>}, {pipeline_mode = #tpu.pipeline_mode<synchronous>, transform_indices = @transform_3, window_bounds = array<i64: 1, 32>}, {pipeline_mode = #tpu.pipeline_mode<synchronous>, transform_indices = @transform_4, window_bounds = array<i64: 1, 32>}, {pipeline_mode = #tpu.pipeline_mode<synchronous>, transform_indices = @transform_5, window_bounds = array<i64: 32, 48>}, {pipeline_mode = #tpu.pipeline_mode<synchronous>, transform_indices = @transform_6, window_bounds = array<i64: 32, 48>}, {transform_indices = @transform_7, window_bounds = array<i64: 1000, 96>}, {transform_indices = @transform_8, window_bounds = array<i64: 2, 1000, 48>}]} {
    %get3A = arith.constant 0 : index
    %get3A_0 = arith.constant 0 : index
    %get3A_1 = arith.constant 0 : index
    %get3A_2 = vector.load %arg3[%get3A, %get3A_0, %get3A_1] : memref<2x1000x8xf32, #tpu.memory_space<vmem>>, vector<1x1000x1xf32>
    %get3A_3 = vector.shape_cast %get3A_2 : vector<1x1000x1xf32> to vector<1000x1xf32>
    %get3A_4 = arith.constant 1 : index
    %get3A_5 = arith.constant 0 : index
    %get3A_6 = arith.constant 0 : index
    %get3A_7 = vector.load %arg3[%get3A_4, %get3A_5, %get3A_6] : memref<2x1000x8xf32, #tpu.memory_space<vmem>>, vector<1x1000x1xf32>
    %get3A_8 = vector.shape_cast %get3A_7 : vector<1x1000x1xf32> to vector<1000x1xf32>
    %get3A_9 = arith.constant 0 : index
    %get3A_10 = arith.constant 0 : index
    %get3A_11 = arith.constant 0 : index
    %get3A_12 = vector.load %arg1[%get3A_9, %get3A_10, %get3A_11] : memref<2x1000x64xf32, #tpu.memory_space<vmem>>, vector<1x1000x32xf32>
    %get3A_13 = vector.shape_cast %get3A_12 : vector<1x1000x32xf32> to vector<1000x32xf32>
    %mul3A = vector.broadcast %get3A_3 : vector<1000x1xf32> to vector<1000x32xf32>
    %mul3A_14 = arith.mulf %mul3A, %get3A_13 : vector<1000x32xf32>
    %get3A_15 = arith.constant 0 : index
    %get3A_16 = arith.constant 0 : index
    %get3A_17 = arith.constant 0 : index
    %get3A_18 = vector.load %arg2[%get3A_15, %get3A_16, %get3A_17] : memref<2x1000x32xf32, #tpu.memory_space<vmem>>, vector<1x1000x32xf32>
    %get3A_19 = vector.shape_cast %get3A_18 : vector<1x1000x32xf32> to vector<1000x32xf32>
    %add3A = arith.addf %mul3A_14, %get3A_19 : vector<1000x32xf32>
    %get3A_20 = arith.constant 0 : index
    %get3A_21 = arith.constant 0 : index
    %get3A_22 = vector.load %arg4[%get3A_20, %get3A_21] : memref<1x32xf32, #tpu.memory_space<vmem>>, vector<1x32xf32>
    %add3A_23 = vector.broadcast %get3A_22 : vector<1x32xf32> to vector<1000x32xf32>
    %add3A_24 = arith.addf %add3A, %add3A_23 : vector<1000x32xf32>
    %max3A = arith.constant 0.000000e+00 : f32
    %max3A_25 = vector.broadcast %max3A : f32 to vector<1000x32xf32>
    %max3A_26 = arith.maximumf %add3A_24, %max3A_25 : vector<1000x32xf32>
    %get3A_27 = arith.constant 1 : index
    %get3A_28 = arith.constant 0 : index
    %get3A_29 = arith.constant 32 : index
    %get3A_30 = vector.load %arg1[%get3A_27, %get3A_28, %get3A_29] : memref<2x1000x64xf32, #tpu.memory_space<vmem>>, vector<1x1000x32xf32>
    %get3A_31 = vector.shape_cast %get3A_30 : vector<1x1000x32xf32> to vector<1000x32xf32>
    %mul3A_32 = vector.broadcast %get3A_8 : vector<1000x1xf32> to vector<1000x32xf32>
    %mul3A_33 = arith.mulf %mul3A_32, %get3A_31 : vector<1000x32xf32>
    %get3A_34 = arith.constant 1 : index
    %get3A_35 = arith.constant 0 : index
    %get3A_36 = arith.constant 0 : index
    %get3A_37 = vector.load %arg2[%get3A_34, %get3A_35, %get3A_36] : memref<2x1000x32xf32, #tpu.memory_space<vmem>>, vector<1x1000x32xf32>
    %get3A_38 = vector.shape_cast %get3A_37 : vector<1x1000x32xf32> to vector<1000x32xf32>
    %add3A_39 = arith.addf %mul3A_33, %get3A_38 : vector<1000x32xf32>
    %get3A_40 = arith.constant 0 : index
    %get3A_41 = arith.constant 0 : index
    %get3A_42 = vector.load %arg5[%get3A_40, %get3A_41] : memref<1x32xf32, #tpu.memory_space<vmem>>, vector<1x32xf32>
    %add3A_43 = vector.broadcast %get3A_42 : vector<1x32xf32> to vector<1000x32xf32>
    %add3A_44 = arith.addf %add3A_39, %add3A_43 : vector<1000x32xf32>
    %max3A_45 = arith.constant 0.000000e+00 : f32
    %max3A_46 = vector.broadcast %max3A_45 : f32 to vector<1000x32xf32>
    %max3A_47 = arith.maximumf %add3A_44, %max3A_46 : vector<1000x32xf32>
    %get3A_48 = arith.constant 0 : index
    %get3A_49 = arith.constant 0 : index
    %get3A_50 = vector.load %arg6[%get3A_48, %get3A_49] : memref<32x48xf32, #tpu.memory_space<vmem>>, vector<32x48xf32>
    %dot_general3A = arith.constant dense<0.000000e+00> : vector<1000x48xf32>
    %dot_general3A_51 = tpu.matmul %max3A_26, %get3A_50, %dot_general3A {dimension_numbers = #tpu.dot_dimension_numbers<[1], [0], [0], [1], [0, 0, 1, 1], [], []>, precision = #tpu.contract_precision<fp32>, transpose_lhs_hint = false} : vector<1000x32xf32>, vector<32x48xf32>, vector<1000x48xf32> -> vector<1000x48xf32>
    %get3A_52 = arith.constant 0 : index
    %get3A_53 = arith.constant 0 : index
    %get3A_54 = vector.load %arg7[%get3A_52, %get3A_53] : memref<32x48xf32, #tpu.memory_space<vmem>>, vector<32x48xf32>
    %dot_general3A_55 = arith.constant dense<0.000000e+00> : vector<1000x48xf32>
    %dot_general3A_56 = tpu.matmul %max3A_47, %get3A_54, %dot_general3A_55 {dimension_numbers = #tpu.dot_dimension_numbers<[1], [0], [0], [1], [0, 0, 1, 1], [], []>, precision = #tpu.contract_precision<fp32>, transpose_lhs_hint = false} : vector<1000x32xf32>, vector<32x48xf32>, vector<1000x48xf32> -> vector<1000x48xf32>
    %mul3A_57 = vector.broadcast %get3A_3 : vector<1000x1xf32> to vector<1000x48xf32>
    %mul3A_58 = arith.mulf %mul3A_57, %dot_general3A_51 : vector<1000x48xf32>
    %mul3A_59 = vector.broadcast %get3A_8 : vector<1000x1xf32> to vector<1000x48xf32>
    %mul3A_60 = arith.mulf %mul3A_59, %dot_general3A_56 : vector<1000x48xf32>
    %concatenate3A = tpu.concatenate %mul3A_58, %mul3A_60 in 1 : vector<1000x48xf32>, vector<1000x48xf32> -> vector<1000x96xf32>
    %swap3A = arith.constant 0 : index
    %swap3A_61 = arith.constant 0 : index
    %swap3A_62 = vector.load %arg8[%swap3A, %swap3A_61] : memref<1000x96xf32, #tpu.memory_space<vmem>>, vector<1000x96xf32>
    tpu.vector_store %arg8[%swap3A, %swap3A_61], %concatenate3A {strides = array<i32>} : memref<1000x96xf32, #tpu.memory_space<vmem>>, vector<1000x96xf32>,
    %mul3A_63 = vector.broadcast %get3A_3 : vector<1000x1xf32> to vector<1000x48xf32>
    %mul3A_64 = arith.mulf %mul3A_63, %mul3A_58 : vector<1000x48xf32>
    %swap3A_65 = arith.constant 0 : index
    %swap3A_66 = arith.constant 0 : index
    %swap3A_67 = arith.constant 0 : index
    %swap3A_68 = vector.load %arg9[%swap3A_65, %swap3A_66, %swap3A_67] : memref<2x1000x48xf32, #tpu.memory_space<vmem>>, vector<1x1000x48xf32>
    %swap3A_69 = vector.shape_cast %swap3A_68 : vector<1x1000x48xf32> to vector<1000x48xf32>
    %swap3A_70 = vector.shape_cast %mul3A_64 : vector<1000x48xf32> to vector<1x1000x48xf32>
    tpu.vector_store %arg9[%swap3A_65, %swap3A_66, %swap3A_67], %swap3A_70 {strides = array<i32>} : memref<2x1000x48xf32, #tpu.memory_space<vmem>>, vector<1x1000x48xf32>,
    %mul3A_71 = vector.broadcast %get3A_8 : vector<1000x1xf32> to vector<1000x48xf32>
    %mul3A_72 = arith.mulf %mul3A_71, %mul3A_60 : vector<1000x48xf32>
    %swap3A_73 = arith.constant 1 : index
    %swap3A_74 = arith.constant 0 : index
    %swap3A_75 = arith.constant 0 : index
    %swap3A_76 = vector.load %arg9[%swap3A_73, %swap3A_74, %swap3A_75] : memref<2x1000x48xf32, #tpu.memory_space<vmem>>, vector<1x1000x48xf32>
    %swap3A_77 = vector.shape_cast %swap3A_76 : vector<1x1000x48xf32> to vector<1000x48xf32>
    %swap3A_78 = vector.shape_cast %mul3A_72 : vector<1000x48xf32> to vector<1x1000x48xf32>
    tpu.vector_store %arg9[%swap3A_73, %swap3A_74, %swap3A_75], %swap3A_78 {strides = array<i32>} : memref<2x1000x48xf32, #tpu.memory_space<vmem>>, vector<1x1000x48xf32>,
    return
  }
  func.func @transform_0(%arg0: i32) -> (i32, i32, i32) {
    %c0_i32 = arith.constant 0 : i32
    %c0_i32_0 = arith.constant 0 : i32
    %c0_i32_1 = arith.constant 0 : i32
    return %c0_i32, %arg0, %c0_i32_0 : i32, i32, i32
  }
  func.func @transform_1(%arg0: i32) -> (i32, i32, i32) {
    %c0_i32 = arith.constant 0 : i32
    %c0_i32_0 = arith.constant 0 : i32
    %c0_i32_1 = arith.constant 0 : i32
    return %c0_i32, %arg0, %c0_i32_0 : i32, i32, i32
  }
  func.func @transform_2(%arg0: i32) -> (i32, i32, i32) {
    %c0_i32 = arith.constant 0 : i32
    %c0_i32_0 = arith.constant 0 : i32
    %c0_i32_1 = arith.constant 0 : i32
    return %c0_i32, %arg0, %c0_i32_0 : i32, i32, i32
  }
  func.func @transform_3(%arg0: i32) -> (i32, i32) {
    %c0_i32 = arith.constant 0 : i32
    %c0_i32_0 = arith.constant 0 : i32
    %c0_i32_1 = arith.constant 0 : i32
    return %c0_i32, %c0_i32_0 : i32, i32
  }
  func.func @transform_4(%arg0: i32) -> (i32, i32) {
    %c0_i32 = arith.constant 0 : i32
    %c0_i32_0 = arith.constant 0 : i32
    %c0_i32_1 = arith.constant 0 : i32
    return %c0_i32, %c0_i32_0 : i32, i32
  }
  func.func @transform_5(%arg0: i32) -> (i32, i32) {
    %c0_i32 = arith.constant 0 : i32
    %c0_i32_0 = arith.constant 0 : i32
    %c0_i32_1 = arith.constant 0 : i32
    return %c0_i32, %c0_i32_0 : i32, i32
  }
  func.func @transform_6(%arg0: i32) -> (i32, i32) {
    %c0_i32 = arith.constant 0 : i32
    %c0_i32_0 = arith.constant 0 : i32
    %c0_i32_1 = arith.constant 0 : i32
    return %c0_i32, %c0_i32_0 : i32, i32
  }
  func.func @transform_7(%arg0: i32) -> (i32, i32) {
    %c0_i32 = arith.constant 0 : i32
    %c0_i32_0 = arith.constant 0 : i32
    return %arg0, %c0_i32 : i32, i32
  }
  func.func @transform_8(%arg0: i32) -> (i32, i32, i32) {
    %c0_i32 = arith.constant 0 : i32
    %c0_i32_0 = arith.constant 0 : i32
    %c0_i32_1 = arith.constant 0 : i32
    return %c0_i32, %arg0, %c0_i32_0 : i32, i32, i32
  }
}

module attributes {stable_mosaic.version = 14 : i64} {
  func.func @_tc_c_body(%arg0: i32, %arg1: memref<2x1000x96xf32, #tpu.memory_space<vmem>>, %arg2: memref<2x1000x48xf32, #tpu.memory_space<vmem>>, %arg3: memref<2x1000x8xf32, #tpu.memory_space<vmem>>, %arg4: memref<1x48xf32, #tpu.memory_space<vmem>>, %arg5: memref<1x48xf32, #tpu.memory_space<vmem>>, %arg6: memref<48x48xf32, #tpu.memory_space<vmem>>, %arg7: memref<48x48xf32, #tpu.memory_space<vmem>>, %arg8: memref<1x48xf32, #tpu.memory_space<vmem>>, %arg9: memref<48x128xf32, #tpu.memory_space<vmem>>, %arg10: memref<1x128xf32, #tpu.memory_space<vmem>>, %arg11: memref<1000x128xf32, #tpu.memory_space<vmem>>) attributes {dimension_semantics = [#tpu.dimension_semantics<arbitrary>], iteration_bounds = array<i64: 10>, scalar_prefetch = 0 : i64, scratch_operands = 0 : i64, tpu.core_type = #tpu.core_type<tc>, window_params = [{transform_indices = @transform_0, window_bounds = array<i64: 2, 1000, 96>}, {transform_indices = @transform_1, window_bounds = array<i64: 2, 1000, 48>}, {transform_indices = @transform_2, window_bounds = array<i64: 2, 1000, 8>}, {pipeline_mode = #tpu.pipeline_mode<synchronous>, transform_indices = @transform_3, window_bounds = array<i64: 1, 48>}, {pipeline_mode = #tpu.pipeline_mode<synchronous>, transform_indices = @transform_4, window_bounds = array<i64: 1, 48>}, {pipeline_mode = #tpu.pipeline_mode<synchronous>, transform_indices = @transform_5, window_bounds = array<i64: 48, 48>}, {pipeline_mode = #tpu.pipeline_mode<synchronous>, transform_indices = @transform_6, window_bounds = array<i64: 48, 48>}, {pipeline_mode = #tpu.pipeline_mode<synchronous>, transform_indices = @transform_7, window_bounds = array<i64: 1, 48>}, {pipeline_mode = #tpu.pipeline_mode<synchronous>, transform_indices = @transform_8, window_bounds = array<i64: 48, 128>}, {pipeline_mode = #tpu.pipeline_mode<synchronous>, transform_indices = @transform_9, window_bounds = array<i64: 1, 128>}, {transform_indices = @transform_10, window_bounds = array<i64: 1000, 128>}]} {
    %get3A = arith.constant 0 : index
    %get3A_0 = arith.constant 0 : index
    %get3A_1 = arith.constant 0 : index
    %get3A_2 = vector.load %arg3[%get3A, %get3A_0, %get3A_1] : memref<2x1000x8xf32, #tpu.memory_space<vmem>>, vector<1x1000x1xf32>
    %get3A_3 = vector.shape_cast %get3A_2 : vector<1x1000x1xf32> to vector<1000x1xf32>
    %get3A_4 = arith.constant 1 : index
    %get3A_5 = arith.constant 0 : index
    %get3A_6 = arith.constant 0 : index
    %get3A_7 = vector.load %arg3[%get3A_4, %get3A_5, %get3A_6] : memref<2x1000x8xf32, #tpu.memory_space<vmem>>, vector<1x1000x1xf32>
    %get3A_8 = vector.shape_cast %get3A_7 : vector<1x1000x1xf32> to vector<1000x1xf32>
    %get3A_9 = arith.constant 0 : index
    %get3A_10 = arith.constant 0 : index
    %get3A_11 = arith.constant 0 : index
    %get3A_12 = vector.load %arg1[%get3A_9, %get3A_10, %get3A_11] : memref<2x1000x96xf32, #tpu.memory_space<vmem>>, vector<1x1000x48xf32>
    %get3A_13 = vector.shape_cast %get3A_12 : vector<1x1000x48xf32> to vector<1000x48xf32>
    %mul3A = vector.broadcast %get3A_3 : vector<1000x1xf32> to vector<1000x48xf32>
    %mul3A_14 = arith.mulf %mul3A, %get3A_13 : vector<1000x48xf32>
    %get3A_15 = arith.constant 0 : index
    %get3A_16 = arith.constant 0 : index
    %get3A_17 = arith.constant 0 : index
    %get3A_18 = vector.load %arg2[%get3A_15, %get3A_16, %get3A_17] : memref<2x1000x48xf32, #tpu.memory_space<vmem>>, vector<1x1000x48xf32>
    %get3A_19 = vector.shape_cast %get3A_18 : vector<1x1000x48xf32> to vector<1000x48xf32>
    %add3A = arith.addf %mul3A_14, %get3A_19 : vector<1000x48xf32>
    %get3A_20 = arith.constant 0 : index
    %get3A_21 = arith.constant 0 : index
    %get3A_22 = vector.load %arg4[%get3A_20, %get3A_21] : memref<1x48xf32, #tpu.memory_space<vmem>>, vector<1x48xf32>
    %add3A_23 = vector.broadcast %get3A_22 : vector<1x48xf32> to vector<1000x48xf32>
    %add3A_24 = arith.addf %add3A, %add3A_23 : vector<1000x48xf32>
    %max3A = arith.constant 0.000000e+00 : f32
    %max3A_25 = vector.broadcast %max3A : f32 to vector<1000x48xf32>
    %max3A_26 = arith.maximumf %add3A_24, %max3A_25 : vector<1000x48xf32>
    %get3A_27 = arith.constant 1 : index
    %get3A_28 = arith.constant 0 : index
    %get3A_29 = arith.constant 48 : index
    %get3A_30 = vector.load %arg1[%get3A_27, %get3A_28, %get3A_29] : memref<2x1000x96xf32, #tpu.memory_space<vmem>>, vector<1x1000x48xf32>
    %get3A_31 = vector.shape_cast %get3A_30 : vector<1x1000x48xf32> to vector<1000x48xf32>
    %mul3A_32 = vector.broadcast %get3A_8 : vector<1000x1xf32> to vector<1000x48xf32>
    %mul3A_33 = arith.mulf %mul3A_32, %get3A_31 : vector<1000x48xf32>
    %get3A_34 = arith.constant 1 : index
    %get3A_35 = arith.constant 0 : index
    %get3A_36 = arith.constant 0 : index
    %get3A_37 = vector.load %arg2[%get3A_34, %get3A_35, %get3A_36] : memref<2x1000x48xf32, #tpu.memory_space<vmem>>, vector<1x1000x48xf32>
    %get3A_38 = vector.shape_cast %get3A_37 : vector<1x1000x48xf32> to vector<1000x48xf32>
    %add3A_39 = arith.addf %mul3A_33, %get3A_38 : vector<1000x48xf32>
    %get3A_40 = arith.constant 0 : index
    %get3A_41 = arith.constant 0 : index
    %get3A_42 = vector.load %arg5[%get3A_40, %get3A_41] : memref<1x48xf32, #tpu.memory_space<vmem>>, vector<1x48xf32>
    %add3A_43 = vector.broadcast %get3A_42 : vector<1x48xf32> to vector<1000x48xf32>
    %add3A_44 = arith.addf %add3A_39, %add3A_43 : vector<1000x48xf32>
    %max3A_45 = arith.constant 0.000000e+00 : f32
    %max3A_46 = vector.broadcast %max3A_45 : f32 to vector<1000x48xf32>
    %max3A_47 = arith.maximumf %add3A_44, %max3A_46 : vector<1000x48xf32>
    %get3A_48 = arith.constant 0 : index
    %get3A_49 = arith.constant 0 : index
    %get3A_50 = vector.load %arg6[%get3A_48, %get3A_49] : memref<48x48xf32, #tpu.memory_space<vmem>>, vector<48x48xf32>
    %dot_general3A = arith.constant dense<0.000000e+00> : vector<1000x48xf32>
    %dot_general3A_51 = tpu.matmul %max3A_26, %get3A_50, %dot_general3A {dimension_numbers = #tpu.dot_dimension_numbers<[1], [0], [0], [1], [0, 0, 1, 1], [], []>, precision = #tpu.contract_precision<fp32>, transpose_lhs_hint = false} : vector<1000x48xf32>, vector<48x48xf32>, vector<1000x48xf32> -> vector<1000x48xf32>
    %get3A_52 = arith.constant 0 : index
    %get3A_53 = arith.constant 0 : index
    %get3A_54 = vector.load %arg7[%get3A_52, %get3A_53] : memref<48x48xf32, #tpu.memory_space<vmem>>, vector<48x48xf32>
    %dot_general3A_55 = arith.constant dense<0.000000e+00> : vector<1000x48xf32>
    %dot_general3A_56 = tpu.matmul %max3A_47, %get3A_54, %dot_general3A_55 {dimension_numbers = #tpu.dot_dimension_numbers<[1], [0], [0], [1], [0, 0, 1, 1], [], []>, precision = #tpu.contract_precision<fp32>, transpose_lhs_hint = false} : vector<1000x48xf32>, vector<48x48xf32>, vector<1000x48xf32> -> vector<1000x48xf32>
    %add3A_57 = arith.addf %dot_general3A_51, %dot_general3A_56 : vector<1000x48xf32>
    %get3A_58 = arith.constant 0 : index
    %get3A_59 = arith.constant 0 : index
    %get3A_60 = vector.load %arg8[%get3A_58, %get3A_59] : memref<1x48xf32, #tpu.memory_space<vmem>>, vector<1x48xf32>
    %add3A_61 = vector.broadcast %get3A_60 : vector<1x48xf32> to vector<1000x48xf32>
    %add3A_62 = arith.addf %add3A_57, %add3A_61 : vector<1000x48xf32>
    %max3A_63 = arith.constant 0.000000e+00 : f32
    %max3A_64 = vector.broadcast %max3A_63 : f32 to vector<1000x48xf32>
    %max3A_65 = arith.maximumf %add3A_62, %max3A_64 : vector<1000x48xf32>
    %get3A_66 = arith.constant 0 : index
    %get3A_67 = arith.constant 0 : index
    %get3A_68 = vector.load %arg9[%get3A_66, %get3A_67] : memref<48x128xf32, #tpu.memory_space<vmem>>, vector<48x128xf32>
    %dot_general3A_69 = arith.constant dense<0.000000e+00> : vector<1000x128xf32>
    %dot_general3A_70 = tpu.matmul %max3A_65, %get3A_68, %dot_general3A_69 {dimension_numbers = #tpu.dot_dimension_numbers<[1], [0], [0], [1], [0, 0, 1, 1], [], []>, precision = #tpu.contract_precision<fp32>, transpose_lhs_hint = false} : vector<1000x48xf32>, vector<48x128xf32>, vector<1000x128xf32> -> vector<1000x128xf32>
    %get3A_71 = arith.constant 0 : index
    %get3A_72 = arith.constant 0 : index
    %get3A_73 = vector.load %arg10[%get3A_71, %get3A_72] : memref<1x128xf32, #tpu.memory_space<vmem>>, vector<1x128xf32>
    %add3A_74 = vector.broadcast %get3A_73 : vector<1x128xf32> to vector<1000x128xf32>
    %add3A_75 = arith.addf %dot_general3A_70, %add3A_74 : vector<1000x128xf32>
    %swap3A = arith.constant 0 : index
    %swap3A_76 = arith.constant 0 : index
    %swap3A_77 = vector.load %arg11[%swap3A, %swap3A_76] : memref<1000x128xf32, #tpu.memory_space<vmem>>, vector<1000x128xf32>
    tpu.vector_store %arg11[%swap3A, %swap3A_76], %add3A_75 {strides = array<i32>} : memref<1000x128xf32, #tpu.memory_space<vmem>>, vector<1000x128xf32>,
    return
  }
  func.func @transform_0(%arg0: i32) -> (i32, i32, i32) {
    %c0_i32 = arith.constant 0 : i32
    %c0_i32_0 = arith.constant 0 : i32
    %c0_i32_1 = arith.constant 0 : i32
    return %c0_i32, %arg0, %c0_i32_0 : i32, i32, i32
  }
  func.func @transform_1(%arg0: i32) -> (i32, i32, i32) {
    %c0_i32 = arith.constant 0 : i32
    %c0_i32_0 = arith.constant 0 : i32
    %c0_i32_1 = arith.constant 0 : i32
    return %c0_i32, %arg0, %c0_i32_0 : i32, i32, i32
  }
  func.func @transform_2(%arg0: i32) -> (i32, i32, i32) {
    %c0_i32 = arith.constant 0 : i32
    %c0_i32_0 = arith.constant 0 : i32
    %c0_i32_1 = arith.constant 0 : i32
    return %c0_i32, %arg0, %c0_i32_0 : i32, i32, i32
  }
  func.func @transform_3(%arg0: i32) -> (i32, i32) {
    %c0_i32 = arith.constant 0 : i32
    %c0_i32_0 = arith.constant 0 : i32
    %c0_i32_1 = arith.constant 0 : i32
    return %c0_i32, %c0_i32_0 : i32, i32
  }
  func.func @transform_4(%arg0: i32) -> (i32, i32) {
    %c0_i32 = arith.constant 0 : i32
    %c0_i32_0 = arith.constant 0 : i32
    %c0_i32_1 = arith.constant 0 : i32
    return %c0_i32, %c0_i32_0 : i32, i32
  }
  func.func @transform_5(%arg0: i32) -> (i32, i32) {
    %c0_i32 = arith.constant 0 : i32
    %c0_i32_0 = arith.constant 0 : i32
    %c0_i32_1 = arith.constant 0 : i32
    return %c0_i32, %c0_i32_0 : i32, i32
  }
  func.func @transform_6(%arg0: i32) -> (i32, i32) {
    %c0_i32 = arith.constant 0 : i32
    %c0_i32_0 = arith.constant 0 : i32
    %c0_i32_1 = arith.constant 0 : i32
    return %c0_i32, %c0_i32_0 : i32, i32
  }
  func.func @transform_7(%arg0: i32) -> (i32, i32) {
    %c0_i32 = arith.constant 0 : i32
    %c0_i32_0 = arith.constant 0 : i32
    %c0_i32_1 = arith.constant 0 : i32
    return %c0_i32, %c0_i32_0 : i32, i32
  }
  func.func @transform_8(%arg0: i32) -> (i32, i32) {
    %c0_i32 = arith.constant 0 : i32
    %c0_i32_0 = arith.constant 0 : i32
    %c0_i32_1 = arith.constant 0 : i32
    return %c0_i32, %c0_i32_0 : i32, i32
  }
  func.func @transform_9(%arg0: i32) -> (i32, i32) {
    %c0_i32 = arith.constant 0 : i32
    %c0_i32_0 = arith.constant 0 : i32
    %c0_i32_1 = arith.constant 0 : i32
    return %c0_i32, %c0_i32_0 : i32, i32
  }
  func.func @transform_10(%arg0: i32) -> (i32, i32) {
    %c0_i32 = arith.constant 0 : i32
    %c0_i32_0 = arith.constant 0 : i32
    return %arg0, %c0_i32 : i32, i32
  }
}

</mosaic_0001>

<sc_bundles>
// kernel: kernel.11.cloned.1.call-start
scs
__scs_entry_jumppad:
0x0: {  	(pc) =	sbr.rel $0x88, $3  }
0x1: {  	(tag) =	ssettag $0x0;
	lr =	simm.s32 $0x1  }
0x2: {  	[smem:$0x3F8D] =	sst lr;
	_ =	strace $0xD0000000  }
0x3: {  	_ = 	snop  }
0x4: {  	_ = 	snop  }
0x5: {  	_ = 	snop  }
0x6: {  	_ = 	snop  }
0x7: {  	_ = 	snop  }
__scs_overlays_trampoline_lowered:
0x8: {  	[smem:$0x3F9C] =	sst s0  }
0x9: {  	[smem:$0x3F9D] =	sst s1  }
0xa: {  	[smem:$0x3F9E] =	sst s2  }
0xb: {  	[smem:$0x3F9F] =	sst s3  }
0xc: {  	[smem:$0x3FA0] =	sst s4  }
0xd: {  	[smem:$0x3FA1] =	sst s5  }
0xe: {  	[smem:$0x3FA2] =	sst s6  }
0xf: {  	[smem:$0x3FA3] =	sst s7  }
0x10: {  	[smem:$0x3FA4] =	sst s8  }
0x11: {  	[smem:$0x3FA5] =	sst s9;
	s0 =	simm.s32 @!p0 $0x0  }
0x12: {  	s1 =	sld [smem:$0x3F8B];
	s0 =	simm.s32 @p0 $0x1  }
0x13: {  	[smem:$0x3FA6] =	sst s0;
	s0 =	simm.s32 @!p1 $0x0  }
0x14: {  	s2 =	sld [smem:$0x3F8A];
	s0 =	simm.s32 @p1 $0x1  }
0x15: {  	[smem:$0x3FA7] =	sst s0;
	s0 =	simm.s32 @!p2 $0x0  }
0x16: {  	s3 =	sld [smem:$0x3FDB];
	s0 =	simm.s32 @p2 $0x1  }
0x17: {  	s4 =	simm.s32 $0x1BF5;
	[smem:$0x3FA9] =	sst s0  }
0x18: {  	s0 =	sld [smem:$0x3F8C];
	_ =	swait.ge [sflag:s4], $0x0  }
0x19: {  	s7 =	sld [smem:$0x3F8D]  }
0x1a: {  	s8 =	sadd.s32 $0xFFFFE003, lr  }
0x1b: {  	s9 =	sadd.s32 $0xFFFFFEF7, lr;
	s5 =	simm.s32 $0xFFFFFFFF;
	p2 =	slt.u32 s8, $0xFFFFF086  }
0x1c: {  	p1 =	slt.u32 s9, $0xF7A;
	s5 =	simm.s32 @!p2 $0x0  }
0x1d: {  	s5 =	simm.s32 @p1 $0x1;
	p0 =	seq.s32 s7, s2  }
0x1e: {  	s7 =	smul.u32 @!p0 $0xF7A, s2;
	p2 =	seq.s32 @!p0 s5, $0x0  }
0x1f: {  	s9 =	smul.u32 $0xF7A, s1;
	s8 =	simm.s32 @!p0 $0x1BF5;
	p2 =	por !p2, p0  }
0x20: {  	[sflag:s8] =	ssyncset.s32 @!p0 $0xFFFFF086;
	s6 =	sadd.s32 @!p0 s3, s7;
	s7 =	simm.s32 @!p0 $0x108  }
0x21: {  	s3 =	sadd.s32 s3, s9;
	s6 =	sadd.s32 @!p0 $0x88, s6;
	s7 =	simm.s32 @p2 $0x1082  }
0x22: {  	[simem:s7], [sflag:s8] =	dma.local @!p0 [hbm:s6], $0xF7A  }
0x23: {  	s9 =	sor.u32 $0xD0000000, s2;
	s6 =	simm.s32 $0x108;
	_ =	swait.ge @!p0 [sflag:s8], $0x0  }
0x24: {  	s3 =	sadd.s32 $0x88, s3;
	s6 =	simm.s32 @!p1 $0x1082;
	[sflag:s4] =	ssyncset.s32 $0xFFFFF086  }
0x25: {  	[simem:s6], [sflag:s4] =	dma.local [hbm:s3], $0xF7A  }
0x26: {  	[smem:$0x3F8D] =	sst s1;
	(tag) =	ssettag s2;
	_ =	strace s9  }
0x27: {  	s1 =	sld [smem:$0x3F9D]  }
0x28: {  	s2 =	sld [smem:$0x3F9E]  }
0x29: {  	s4 =	sld [smem:$0x3FA0]  }
0x2a: {  	p0 =	seq.s32 s5, $0x0;
	s5 =	sld [smem:$0x3FA1]  }
0x2b: {  	s6 =	sld [smem:$0x3FA2]  }
0x2c: {  	s7 =	sld [smem:$0x3FA3]  }
0x2d: {  	s3 =	simm.s32 $0x108;
	s8 =	sld [smem:$0x3FA4]  }
0x2e: {  	s3 =	simm.s32 @!p0 $0x1082;
	s9 =	sld [smem:$0x3FA5]  }
0x2f: {  	lr =	sadd.s32 s0, s3;
	s0 =	sld [smem:$0x3F9C]  }
0x30: {  	s3 =	sld [smem:$0x3F9F]  }
0x31: {  	[smem:$0x3FA8] =	sst s10  }
0x32: {  	s10 =	sld [smem:$0x3FA6];
	_ =	sdelay $0x3  }
0x33: {  	p0 =	seq.s32 s10, $0x1;
	s10 =	sld [smem:$0x3FA8];
	_ =	sdelay $0x3  }
0x34: {  	[smem:$0x3FA8] =	sst s10  }
0x35: {  	s10 =	sld [smem:$0x3FA7];
	_ =	sdelay $0x3  }
0x36: {  	p1 =	seq.s32 s10, $0x1;
	s10 =	sld [smem:$0x3FA8];
	_ =	sdelay $0x3  }
0x37: {  	[smem:$0x3FA8] =	sst s10  }
0x38: {  	s10 =	sld [smem:$0x3FA9]  }
0x39: {  	_ = 	snop;
	(pc) =	sbr.ind lr, $3  }
0x3a: {  	_ = 	snop  }
0x3b: {  	_ = 	snop  }
0x3c: {  	p2 =	seq.s32 s10, $0x1;
	s10 =	sld [smem:$0x3FA8]  }
0x3d: {  	_ =	shalt  }
0x3e: {  	_ =	shalt  }
0x3f: {  	_ =	shalt  }
0x40: {  	_ =	shalt  }
0x41: {  	_ =	shalt  }
0x42: {  	_ =	shalt  }
0x43: {  	_ =	shalt  }
0x44: {  	_ =	shalt  }
0x45: {  	_ =	shalt  }
0x46: {  	_ =	shalt  }
0x47: {  	_ =	shalt  }
0x48: {  	_ =	shalt  }
0x49: {  	_ =	shalt  }
0x4a: {  	_ =	shalt  }
0x4b: {  	_ =	shalt  }
0x4c: {  	_ =	shalt  }
0x4d: {  	_ =	shalt  }
0x4e: {  	_ =	shalt  }
0x4f: {  	_ =	shalt  }
0x50: {  	_ =	shalt  }
0x51: {  	_ =	shalt  }
0x52: {  	_ =	shalt  }
0x53: {  	_ =	shalt  }
0x54: {  	_ =	shalt  }
0x55: {  	_ =	shalt  }
0x56: {  	_ =	shalt  }
0x57: {  	_ =	shalt  }
0x58: {  	_ =	shalt  }
0x59: {  	_ =	shalt  }
0x5a: {  	_ =	shalt  }
0x5b: {  	_ =	shalt  }
0x5c: {  	_ =	shalt  }
0x5d: {  	_ =	shalt  }
0x5e: {  	_ =	shalt  }
0x5f: {  	_ =	shalt  }
0x60: {  	_ =	shalt  }
0x61: {  	_ =	shalt  }
0x62: {  	_ =	shalt  }
0x63: {  	_ =	shalt  }
0x64: {  	_ =	shalt  }
0x65: {  	_ =	shalt  }
0x66: {  	_ =	shalt  }
0x67: {  	_ =	shalt  }
0x68: {  	_ =	shalt  }
0x69: {  	_ =	shalt  }
0x6a: {  	_ =	shalt  }
0x6b: {  	_ =	shalt  }
0x6c: {  	_ =	shalt  }
0x6d: {  	_ =	shalt  }
0x6e: {  	_ =	shalt  }
0x6f: {  	_ =	shalt  }
0x70: {  	_ =	shalt  }
0x71: {  	_ =	shalt  }
0x72: {  	_ =	shalt  }
0x73: {  	_ =	shalt  }
0x74: {  	_ =	shalt  }
0x75: {  	_ =	shalt  }
0x76: {  	_ =	shalt  }
0x77: {  	_ =	shalt  }
0x78: {  	_ =	shalt  }
0x79: {  	_ =	shalt  }
0x7a: {  	_ =	shalt  }
0x7b: {  	_ =	shalt  }
0x7c: {  	_ =	shalt  }
0x7d: {  	_ =	shalt  }
0x7e: {  	_ =	shalt  }
0x7f: {  	_ =	shalt  }
0x80: {  	_ =	shalt  }
0x81: {  	_ =	shalt  }
0x82: {  	_ =	shalt  }
0x83: {  	_ =	shalt  }
0x84: {  	_ =	shalt  }
0x85: {  	_ =	shalt  }
0x86: {  	_ =	shalt  }
0x87: {  	_ =	shalt  }
.Lfunc_end0:
.L_simem_size_0:
called_computation.1_lowered:
.L_overlay_start_0:
0x88: {  	s2 =	sld [smem:$0x3FD9]  }
0x89: {  	s3 =	sld [smem:$0x3FFE];
	_ =	sdelay $0x1  }
0x8a: {  	s1 =	srdreg.scid  }
0x8b: {  	s0 =	sand.u32 $0x1, s1  }
0x8c: {  	s17 =	sshll.u32 s0, $0xA;
	s2 =	sadd.s32 s3, s2  }
0x8d: {  	s2 =	sadd.s32 s2, s17  }
0x8e: {  	[smem:$0x3FB4] =	sst s2  }
0x8f: {  	_ = 	snop  }
0x90: {  	s2 =	sld [smem:$0x3FD0];
	(tm) =	ssettm $0x1  }
0x91: {  	s18 =	sld [smem:$0x3FFB];
	_ =	sdelay $0x3  }
0x92: {  	_ =	strace s18  }
0x93: {  	s3 =	sld [smem:$0x3FFC];
	_ =	sdelay $0x3  }
0x94: {  	_ =	strace s3  }
0x95: {  	s3 =	sld [smem:$0x3FFD];
	_ =	sdelay $0x3  }
0x96: {  	_ =	strace s3  }
0x97: {  	_ =	strace $0x8FFFFFFF  }
0x98: {  	s19 =	sld [smem:$0x3FDB];
	_ =	sdelay $0x1  }
0x99: {  	s4 =	simm.s32 $_scs_section_size  }
0x9a: {  	s5 =	simm.s32 $_size__tile_overlayer_lowered;
	s6 =	simm.s32 $_tile_overlayer_lowered  }
0x9b: {  	s22 =	simm.s32 $0x1BFF;
	s21 =	sshll.u32 s6, $0x1;
	s3 =	sadd.s32 s4, s19  }
0x9c: {  	s7 =	simm.s32 $0x0;
	s20 =	sshll.u32 s5, $0x1;
	s5 =	sadd.s32 s21, s3  }
0x9d: {  	[timem:s7], [sflag:s22] =	dma.local [hbm:s5], s20  }
0x9e: {  	_ =	swait.ge [sflag:s22], s20  }
0x9f: {  	s4 =	ssub.s32 $0x0, s20;
	[sflag:s22] =	ssyncset.done $0x0  }
0xa0: {  	[sflag:s22] =	ssyncadd.s32 s4;
	_ =	sdelay $0x1  }
0xa1: {  	s23 =	simm.s32 $0x1B8B  }
0xa2: {  	_ =	swait.ge [sflag:s23], $0x1  }
0xa3: {  	[sflag:s23] =	ssyncset.done $0x0  }
0xa4: {  	s25 =	simm.s32 $0x1B8E;
	s24 =	sld [smem:$0x3FFE];
	[sflag:s23] =	ssyncadd.s32 $0xFFFFFFFF  }
0xa5: {  	s26 =	simm.s32 $execute0_lowered;
	[smem:$0x3FD2] =	sst s25  }
0xa6: {  	s5 =	sshll.u32 s26, $0x1;
	_ =	strace $0x80000049;
	[dreg:$0x1] =	wrdreg $0xFFFFFFFF  }
0xa7: {  	s28 =	simm.s32 $_size_execute0_lowered;
	s3 =	sadd.s32 s3, s5;
	[dreg:$0x0] =	wrdreg $0x0  }
0xa8: {  	s5 =	sshll.u32 s28, $0x1;
	[dreg:$0x2] =	wrdreg s3  }
0xa9: {  	[dreg:$0x3] =	wrdreg s5  }
0xaa: {  	[dreg:$0x4] =	wrdreg $0xC0  }
0xab: {  	_ =	task [dreg:s7], $0x5FFFF  }
0xac: {  	[dreg:$0x1] =	wrdreg $0xFFFFFFFF  }
0xad: {  	[dreg:$0x0] =	wrdreg $0x60  }
0xae: {  	[dreg:$0x2] =	wrdreg s24  }
0xaf: {  	[dreg:$0x3] =	wrdreg s2  }
0xb0: {  	[dreg:$0x4] =	wrdreg $0xC0000  }
0xb1: {  	[dreg:$0x5] =	wrdreg $0x9  }
0xb2: {  	_ =	task.clear_ibuf [dreg:s7], $0x6FFFF;
	_ =	strace $0x90000049  }
0xb3: {  	s29 =	simm.s32 $0x9;
	_ =	strace $0x8000004B  }
0xb4: {  	_ =	swait.ge [sflag:s29], $0x1  }
0xb5: {  	[sflag:s29] =	ssyncadd.s32 $0xFFFFFFFF  }
0xb6: {  	_ =	strace $0x9000004B  }
0xb7: {  	_ =	sfence  }
0xb8: {  	s30 =	sld [smem:$0x0];
	_ =	sdelay $0x2  }
0xb9: {  	s31 =	sshll.u32 s1, $0xD;
	s1 =	sshrl.u32 s1, $0x2  }
0xba: {  	s3 =	sand.u32 $0x4000, s31;
	s1 =	sadd.s32 s1, s30  }
0xbb: {  	s0 =	sor.u32 s3, s0;
	s1 =	sshll.u32 s1, $0x11  }
0xbc: {  	s0 =	sor.u32 s1, s0  }
0xbd: {  	s0 =	sadd.s32 $0x8F2B, s0  }
0xbe: {  	[sflag:s0] =	ssyncadd.remote.s32 $0x1  }
0xbf: {  	_ =	sfence.sel $0xFFFF  }
0xc0: {  	[dreg:$0x0] =	wrdreg $0xFFFFFFFF;
	(pc) =	sbr.abs _section_cstart, $3  }
0xc1: {  	[dreg:$0x1] =	wrdreg $0xFFFFFFFF  }
0xc2: {  	_ =	task.clear_ibuf [dreg:s7], $0x2FFFF;
	_ =	strace $0x9FFFFFFF  }
0xc3: {  	(tm) =	ssettm $0x7FFFFFFF  }
tec
execute0_lowered:
.L_overlay_start_1:
0x0: {  	(tag) =	ssettag $0x1  }
0x1: {  	s6 =	rddreg [dreg:$0x0]  }
0x2: {  	s2 =	rddreg [dreg:$0x1]  }
0x3: {  	s0 =	srdreg.scid;
	s3 =	rddreg [dreg:$0x2]  }
0x4: {  	s1 =	rddreg [dreg:$0x3];
	s5 =	sand.u32 $0x1, s0  }
0x5: {  	s0 =	stileid.u32;
	s7 =	smul.u32 $0x50000, s5  }
0x6: {  	s4 =	simm.s32 $0x0;
	s14 =	simm.s32 $0x80;
	s8 =	smul.u32 $0x5000, s0  }
0x7: {  	s15 =	simm.s32 $0xA000;
	s16 =	simm.s32 $0x1;
	s9 =	smul.u32 $0xA000, s0  }
0x8: {  	s17 =	simm.s32 $0x0;
	[smem:$0x7FF] =	sst s4;
	s10 =	smul.u32 $0xA0000, s5  }
0x9: {  	_ =	strace $0x8000004A;
	s29 =	ssub.s32 $0x2, s5;
	s5 =	sadd.s32 $0x65A00, s6  }
0xa: {  	s31 =	sshll.u32 s0, $0x6;
	s30 =	sshrl.u32 s29, $0x1;
	s7 =	sadd.s32 s8, s7  }
0xb: {  	s25 =	sadd.s32 s9, s10;
	s12 =	ssub.s32 s29, s30;
	s13 =	sadd.s32 s9, s3  }
0xc: {  	s7 =	sshrl.u32 s7, $0x3;
	s28 =	sshrl.u32 s25, $0x3;
	s10 =	smax.u32 s12, $0x1  }
0xd: {  	s12 =	simm.s32 $0x2;
	s26 =	sadd.s32 s7, s6;
	s11 =	sadd.s32 s28, s6  }
0xe: {  	s6 =	sor.u32 $0x1C02, s31;
	s7 =	sadd.s32 $0x68000, s26;
	s8 =	sadd.s32 $0x3800, s26  }
0xf: {  	s9 =	sadd.s32 $0xCA200, s11;
	s11 =	sshrl.u32 s13, $0x3;
	s13 =	simm.s32 $0x5000  }
.LBB2_1:
0x10: {  	[spmem:s11], [sflag:s6] =	dma.local [hbm:s5], $0x1400  }
0x11: {  	_ =	swait.ge [sflag:s12], $0x1400  }
0x12: {  	[sflag:s12] =	ssyncset.done $0x0  }
0x13: {  	[sflag:s12] =	ssyncadd.s32 $0xFFFFEC00  }
0x14: {  	[tilespmem:s4], [sflag:$0x2] =	stream.linear.gather [hbm4b:s7+s4], $0x5000, $0x38;
	[tilespmem:$0x16000] =	vst v63  }
0x15: {  	_ =	swait.ge [sflag:s12], $0x5000  }
0x16: {  	[sflag:s12] =	ssyncset.done $0x0  }
0x17: {  	[sflag:s12] =	ssyncadd.s32 $0xFFFFB000  }
0x18: {  	[tilespmem:s13], [sflag:$0x2] =	stream.linear.gather [hbm4b:s8+s4], $0x5000, $0x38;
	[tilespmem:$0x16000] =	vst v63  }
0x19: {  	_ =	swait.ge [sflag:s12], $0x5000  }
0x1a: {  	[sflag:s12] =	ssyncset.done $0x0  }
0x1b: {  	[sflag:s12] =	ssyncadd.s32 $0xFFFFB000  }
0x1c: {  	s18 =	simm.s32 $0x0;
	[bflag:$0x0] =	sbarrier.arrive $0xFFFF  }
0x1d: {  	[tilespmem:s15], [sflag:$0x1] =	stream.indirect.gather [hbm4b:s2+s14], $0x40, s18, s14, $0xb8;
	[tilespmem:$0x16000] =	vst v63  }
0x1e: {  	_ =	swait.ge [sflag:s16], $0x2000  }
0x1f: {  	[sflag:s16] =	ssyncset.done $0x0  }
0x20: {  	s31 =	simm.s32 $0x5000;
	[sflag:s16] =	ssyncadd.s32 $0xFFFFE000  }
0x21: {  	[spmem:s3] =	stream.indirect.scatter.add.f32 [tilespmem:s15], [sflag:$0x2], $0x40, s31, s14, $0xb8;
	[tilespmem:$0x16000] =	vst v63  }
0x22: {  	_ =	swait.ge [sflag:s12], $0x2000  }
0x23: {  	s19 =	simm.s32 $0x400;
	s18 =	simm.s32 $0x200;
	[sflag:s12] =	ssyncset.done $0x0  }
.LBB2_2:
0x24: {  	s20 =	sshra.s32 s18, $0x2  }
0x25: {  	[sflag:s12] =	ssyncadd.s32 $0xFFFFE000;
	s18 =	smov.u32 s19;
	s21 =	sadd.s32 $0x200, s19  }
0x26: {  	[tilespmem:s15], [sflag:$0x1] =	stream.indirect.gather [hbm4b:s2+s14], $0x40, s20, s14, $0xb8;
	[tilespmem:$0x16000] =	vst v63  }
0x27: {  	p0 =	sne.s32 s19, $0x13E00;
	_ =	swait.ge [sflag:s16], $0x2000  }
.Ltmp0:
0x28: {  	[sflag:s16] =	ssyncset.done $0x0;
	(pc) =	sbr.rel @p0 .LBB2_2-.Ltmp0, $4  }
0x29: {  	s19 =	sadd.s32 $0x5000, s20;
	[sflag:s16] =	ssyncadd.s32 $0xFFFFE000  }
0x2a: {  	[spmem:s3] =	stream.indirect.scatter.add.f32 [tilespmem:s15], [sflag:$0x2], $0x40, s19, s14, $0xb8;
	[tilespmem:$0x16000] =	vst v63  }
0x2b: {  	_ =	swait.ge [sflag:s12], $0x2000  }
0x2c: {  	s19 =	smov.u32 s21;
	[sflag:s12] =	ssyncset.done $0x0  }
0x2d: {  	s18 =	sshra.s32 s18, $0x2;
	[sflag:s12] =	ssyncadd.s32 $0xFFFFE000  }
0x2e: {  	[tilespmem:s15], [sflag:$0x1] =	stream.indirect.gather [hbm4b:s2+s14], $0x40, s18, s14, $0xb8;
	[tilespmem:$0x16000] =	vst v63  }
0x2f: {  	_ =	swait.ge [sflag:s16], $0x2000  }
0x30: {  	[sflag:s16] =	ssyncset.done $0x0  }
0x31: {  	s18 =	sadd.s32 $0x5000, s18;
	[sflag:s16] =	ssyncadd.s32 $0xFFFFE000  }
0x32: {  	[spmem:s3] =	stream.indirect.scatter.add.f32 [tilespmem:s15], [sflag:$0x2], $0x40, s18, s14, $0xb8;
	[tilespmem:$0x16000] =	vst v63  }
0x33: {  	_ =	swait.ge [sflag:s12], $0x2000  }
0x34: {  	s17 =	sadd.s32 $0x1, s17;
	[sflag:s12] =	ssyncset.done $0x0  }
0x35: {  	p0 =	sne.s32 s17, s10;
	[sflag:s12] =	ssyncadd.s32 $0xFFFFE000  }
.Ltmp1:
0x36: {  	[bflag:$0x0] =	sbarrier.arrive $0xFFFF;
	(pc) =	sbr.rel @p0 .LBB2_1-.Ltmp1, $4  }
0x37: {  	[hbm:s9], [sflag:s6] =	dma.local [spmem:s11], $0x1400  }
0x38: {  	_ =	swait.ge [sflag:s12], $0x1400  }
0x39: {  	[sflag:s12] =	ssyncset.done $0x0  }
0x3a: {  	[sflag:s12] =	ssyncadd.s32 $0xFFFFEC00  }
0x3b: {  	_ =	sfence.sel $0x180000  }
0x3c: {  	[bflag:$0x0] =	sbarrier.arrive $0xFFFF  }
0x3d: {  	p0 =	sne.s32 s0, $0x0;
	_ =	strace $0x9000004A  }
0x3e: {  	s0 =	sadd.s32 @!p0 $0x100000, s1;
	[bflag:$0x2] =	sbarrier.arrive $0xFFFF  }
0x3f: {  	[sflag:s0] =	ssyncadd.tile.s32 @!p0 $0x1;
	_ =	shalt  }
.Lfunc_end2:
_tile_overlayer_lowered:
.L_overlay_start_2:
0x40: {  	(tag) =	ssettag $0x2  }
0x41: {  	s0 =	rddreg [dreg:$0x0];
	s2 =	stileid.u32  }
0x42: {  	s1 =	rddreg [dreg:$0x1];
	p0 =	sne.s32 s2, $0x0  }
0x43: {  	s3 =	rddreg [dreg:$0x2];
	[bflag:$0x3] =	sbarrier.arrive $0xFFFF;
	s2 =	simm.s32 @!p0 $0x1C02  }
0x44: {  	[timem:s3], [sflag:s2] =	dma.local @!p0 [hbm:s0], s1  }
0x45: {  	s0 =	simm.s32 @!p0 $0x2  }
0x46: {  	_ =	swait.ge @!p0 [sflag:s0], s1  }
0x47: {  	s1 =	ssub.s32 @!p0 $0x0, s1;
	[sflag:s0] =	ssyncset.done @!p0 $0x0  }
0x48: {  	[sflag:s0] =	ssyncadd.s32 @!p0 s1  }
0x49: {  	[bflag:$0x3] =	sbarrier.arrive $0xFFFF  }
0x4a: {  	_ =	shalt  }

// kernel: kernel.14.cloned.1.call-start
scs
__scs_entry_jumppad:
0x0: {  	(pc) =	sbr.rel $0x88, $3  }
0x1: {  	(tag) =	ssettag $0x0;
	lr =	simm.s32 $0x1  }
0x2: {  	[smem:$0x3F8D] =	sst lr;
	_ =	strace $0xD0000000  }
0x3: {  	_ = 	snop  }
0x4: {  	_ = 	snop  }
0x5: {  	_ = 	snop  }
0x6: {  	_ = 	snop  }
0x7: {  	_ = 	snop  }
__scs_overlays_trampoline_lowered:
0x8: {  	[smem:$0x3F9C] =	sst s0  }
0x9: {  	[smem:$0x3F9D] =	sst s1  }
0xa: {  	[smem:$0x3F9E] =	sst s2  }
0xb: {  	[smem:$0x3F9F] =	sst s3  }
0xc: {  	[smem:$0x3FA0] =	sst s4  }
0xd: {  	[smem:$0x3FA1] =	sst s5  }
0xe: {  	[smem:$0x3FA2] =	sst s6  }
0xf: {  	[smem:$0x3FA3] =	sst s7  }
0x10: {  	[smem:$0x3FA4] =	sst s8  }
0x11: {  	[smem:$0x3FA5] =	sst s9;
	s0 =	simm.s32 @!p0 $0x0  }
0x12: {  	s1 =	sld [smem:$0x3F8B];
	s0 =	simm.s32 @p0 $0x1  }
0x13: {  	[smem:$0x3FA6] =	sst s0;
	s0 =	simm.s32 @!p1 $0x0  }
0x14: {  	s2 =	sld [smem:$0x3F8A];
	s0 =	simm.s32 @p1 $0x1  }
0x15: {  	[smem:$0x3FA7] =	sst s0;
	s0 =	simm.s32 @!p2 $0x0  }
0x16: {  	s3 =	sld [smem:$0x3FDB];
	s0 =	simm.s32 @p2 $0x1  }
0x17: {  	s4 =	simm.s32 $0x1BF5;
	[smem:$0x3FA9] =	sst s0  }
0x18: {  	s0 =	sld [smem:$0x3F8C];
	_ =	swait.ge [sflag:s4], $0x0  }
0x19: {  	s7 =	sld [smem:$0x3F8D]  }
0x1a: {  	s8 =	sadd.s32 $0xFFFFE003, lr  }
0x1b: {  	s9 =	sadd.s32 $0xFFFFFEF7, lr;
	s5 =	simm.s32 $0xFFFFFFFF;
	p2 =	slt.u32 s8, $0xFFFFF086  }
0x1c: {  	p1 =	slt.u32 s9, $0xF7A;
	s5 =	simm.s32 @!p2 $0x0  }
0x1d: {  	s5 =	simm.s32 @p1 $0x1;
	p0 =	seq.s32 s7, s2  }
0x1e: {  	s7 =	smul.u32 @!p0 $0xF7A, s2;
	p2 =	seq.s32 @!p0 s5, $0x0  }
0x1f: {  	s9 =	smul.u32 $0xF7A, s1;
	s8 =	simm.s32 @!p0 $0x1BF5;
	p2 =	por !p2, p0  }
0x20: {  	[sflag:s8] =	ssyncset.s32 @!p0 $0xFFFFF086;
	s6 =	sadd.s32 @!p0 s3, s7;
	s7 =	simm.s32 @!p0 $0x108  }
0x21: {  	s3 =	sadd.s32 s3, s9;
	s6 =	sadd.s32 @!p0 $0x88, s6;
	s7 =	simm.s32 @p2 $0x1082  }
0x22: {  	[simem:s7], [sflag:s8] =	dma.local @!p0 [hbm:s6], $0xF7A  }
0x23: {  	s9 =	sor.u32 $0xD0000000, s2;
	s6 =	simm.s32 $0x108;
	_ =	swait.ge @!p0 [sflag:s8], $0x0  }
0x24: {  	s3 =	sadd.s32 $0x88, s3;
	s6 =	simm.s32 @!p1 $0x1082;
	[sflag:s4] =	ssyncset.s32 $0xFFFFF086  }
0x25: {  	[simem:s6], [sflag:s4] =	dma.local [hbm:s3], $0xF7A  }
0x26: {  	[smem:$0x3F8D] =	sst s1;
	(tag) =	ssettag s2;
	_ =	strace s9  }
0x27: {  	s1 =	sld [smem:$0x3F9D]  }
0x28: {  	s2 =	sld [smem:$0x3F9E]  }
0x29: {  	s4 =	sld [smem:$0x3FA0]  }
0x2a: {  	p0 =	seq.s32 s5, $0x0;
	s5 =	sld [smem:$0x3FA1]  }
0x2b: {  	s6 =	sld [smem:$0x3FA2]  }
0x2c: {  	s7 =	sld [smem:$0x3FA3]  }
0x2d: {  	s3 =	simm.s32 $0x108;
	s8 =	sld [smem:$0x3FA4]  }
0x2e: {  	s3 =	simm.s32 @!p0 $0x1082;
	s9 =	sld [smem:$0x3FA5]  }
0x2f: {  	lr =	sadd.s32 s0, s3;
	s0 =	sld [smem:$0x3F9C]  }
0x30: {  	s3 =	sld [smem:$0x3F9F]  }
0x31: {  	[smem:$0x3FA8] =	sst s10  }
0x32: {  	s10 =	sld [smem:$0x3FA6];
	_ =	sdelay $0x3  }
0x33: {  	p0 =	seq.s32 s10, $0x1;
	s10 =	sld [smem:$0x3FA8];
	_ =	sdelay $0x3  }
0x34: {  	[smem:$0x3FA8] =	sst s10  }
0x35: {  	s10 =	sld [smem:$0x3FA7];
	_ =	sdelay $0x3  }
0x36: {  	p1 =	seq.s32 s10, $0x1;
	s10 =	sld [smem:$0x3FA8];
	_ =	sdelay $0x3  }
0x37: {  	[smem:$0x3FA8] =	sst s10  }
0x38: {  	s10 =	sld [smem:$0x3FA9]  }
0x39: {  	_ = 	snop;
	(pc) =	sbr.ind lr, $3  }
0x3a: {  	_ = 	snop  }
0x3b: {  	_ = 	snop  }
0x3c: {  	p2 =	seq.s32 s10, $0x1;
	s10 =	sld [smem:$0x3FA8]  }
0x3d: {  	_ =	shalt  }
0x3e: {  	_ =	shalt  }
0x3f: {  	_ =	shalt  }
0x40: {  	_ =	shalt  }
0x41: {  	_ =	shalt  }
0x42: {  	_ =	shalt  }
0x43: {  	_ =	shalt  }
0x44: {  	_ =	shalt  }
0x45: {  	_ =	shalt  }
0x46: {  	_ =	shalt  }
0x47: {  	_ =	shalt  }
0x48: {  	_ =	shalt  }
0x49: {  	_ =	shalt  }
0x4a: {  	_ =	shalt  }
0x4b: {  	_ =	shalt  }
0x4c: {  	_ =	shalt  }
0x4d: {  	_ =	shalt  }
0x4e: {  	_ =	shalt  }
0x4f: {  	_ =	shalt  }
0x50: {  	_ =	shalt  }
0x51: {  	_ =	shalt  }
0x52: {  	_ =	shalt  }
0x53: {  	_ =	shalt  }
0x54: {  	_ =	shalt  }
0x55: {  	_ =	shalt  }
0x56: {  	_ =	shalt  }
0x57: {  	_ =	shalt  }
0x58: {  	_ =	shalt  }
0x59: {  	_ =	shalt  }
0x5a: {  	_ =	shalt  }
0x5b: {  	_ =	shalt  }
0x5c: {  	_ =	shalt  }
0x5d: {  	_ =	shalt  }
0x5e: {  	_ =	shalt  }
0x5f: {  	_ =	shalt  }
0x60: {  	_ =	shalt  }
0x61: {  	_ =	shalt  }
0x62: {  	_ =	shalt  }
0x63: {  	_ =	shalt  }
0x64: {  	_ =	shalt  }
0x65: {  	_ =	shalt  }
0x66: {  	_ =	shalt  }
0x67: {  	_ =	shalt  }
0x68: {  	_ =	shalt  }
0x69: {  	_ =	shalt  }
0x6a: {  	_ =	shalt  }
0x6b: {  	_ =	shalt  }
0x6c: {  	_ =	shalt  }
0x6d: {  	_ =	shalt  }
0x6e: {  	_ =	shalt  }
0x6f: {  	_ =	shalt  }
0x70: {  	_ =	shalt  }
0x71: {  	_ =	shalt  }
0x72: {  	_ =	shalt  }
0x73: {  	_ =	shalt  }
0x74: {  	_ =	shalt  }
0x75: {  	_ =	shalt  }
0x76: {  	_ =	shalt  }
0x77: {  	_ =	shalt  }
0x78: {  	_ =	shalt  }
0x79: {  	_ =	shalt  }
0x7a: {  	_ =	shalt  }
0x7b: {  	_ =	shalt  }
0x7c: {  	_ =	shalt  }
0x7d: {  	_ =	shalt  }
0x7e: {  	_ =	shalt  }
0x7f: {  	_ =	shalt  }
0x80: {  	_ =	shalt  }
0x81: {  	_ =	shalt  }
0x82: {  	_ =	shalt  }
0x83: {  	_ =	shalt  }
0x84: {  	_ =	shalt  }
0x85: {  	_ =	shalt  }
0x86: {  	_ =	shalt  }
0x87: {  	_ =	shalt  }
.Lfunc_end0:
.L_simem_size_0:
called_computation.2_lowered:
.L_overlay_start_0:
0x88: {  	s2 =	sld [smem:$0x3FD9]  }
0x89: {  	s3 =	sld [smem:$0x3FFE];
	_ =	sdelay $0x1  }
0x8a: {  	s1 =	srdreg.scid  }
0x8b: {  	s0 =	sand.u32 $0x1, s1  }
0x8c: {  	s17 =	sshll.u32 s0, $0xA;
	s2 =	sadd.s32 s3, s2  }
0x8d: {  	s2 =	sadd.s32 s2, s17  }
0x8e: {  	[smem:$0x3FB4] =	sst s2  }
0x8f: {  	_ = 	snop  }
0x90: {  	s2 =	sld [smem:$0x3FD0];
	(tm) =	ssettm $0x1  }
0x91: {  	s18 =	sld [smem:$0x3FFB];
	_ =	sdelay $0x3  }
0x92: {  	_ =	strace s18  }
0x93: {  	s3 =	sld [smem:$0x3FFC];
	_ =	sdelay $0x3  }
0x94: {  	_ =	strace s3  }
0x95: {  	s3 =	sld [smem:$0x3FFD];
	_ =	sdelay $0x3  }
0x96: {  	_ =	strace s3  }
0x97: {  	_ =	strace $0x8FFFFFFF  }
0x98: {  	s19 =	sld [smem:$0x3FDB];
	_ =	sdelay $0x1  }
0x99: {  	s4 =	simm.s32 $_scs_section_size  }
0x9a: {  	s5 =	simm.s32 $_size__tile_overlayer_lowered;
	s6 =	simm.s32 $_tile_overlayer_lowered  }
0x9b: {  	s22 =	simm.s32 $0x1BFF;
	s21 =	sshll.u32 s6, $0x1;
	s3 =	sadd.s32 s4, s19  }
0x9c: {  	s7 =	simm.s32 $0x0;
	s20 =	sshll.u32 s5, $0x1;
	s5 =	sadd.s32 s21, s3  }
0x9d: {  	[timem:s7], [sflag:s22] =	dma.local [hbm:s5], s20  }
0x9e: {  	_ =	swait.ge [sflag:s22], s20  }
0x9f: {  	s4 =	ssub.s32 $0x0, s20;
	[sflag:s22] =	ssyncset.done $0x0  }
0xa0: {  	[sflag:s22] =	ssyncadd.s32 s4;
	_ =	sdelay $0x1  }
0xa1: {  	s23 =	simm.s32 $0x1B8B  }
0xa2: {  	_ =	swait.ge [sflag:s23], $0x1  }
0xa3: {  	[sflag:s23] =	ssyncset.done $0x0  }
0xa4: {  	s25 =	simm.s32 $0x1B8E;
	s24 =	sld [smem:$0x3FFE];
	[sflag:s23] =	ssyncadd.s32 $0xFFFFFFFF  }
0xa5: {  	s26 =	simm.s32 $execute0_lowered;
	[smem:$0x3FD2] =	sst s25  }
0xa6: {  	s5 =	sshll.u32 s26, $0x1;
	_ =	strace $0x8000004C;
	[dreg:$0x1] =	wrdreg $0xFFFFFFFF  }
0xa7: {  	s28 =	simm.s32 $_size_execute0_lowered;
	s3 =	sadd.s32 s3, s5;
	[dreg:$0x0] =	wrdreg $0x0  }
0xa8: {  	s5 =	sshll.u32 s28, $0x1;
	[dreg:$0x2] =	wrdreg s3  }
0xa9: {  	[dreg:$0x3] =	wrdreg s5  }
0xaa: {  	[dreg:$0x4] =	wrdreg $0xC0  }
0xab: {  	_ =	task [dreg:s7], $0x5FFFF  }
0xac: {  	[dreg:$0x1] =	wrdreg $0xFFFFFFFF  }
0xad: {  	[dreg:$0x0] =	wrdreg $0x60  }
0xae: {  	[dreg:$0x2] =	wrdreg s24  }
0xaf: {  	[dreg:$0x3] =	wrdreg s2  }
0xb0: {  	[dreg:$0x4] =	wrdreg $0xD0000  }
0xb1: {  	[dreg:$0x5] =	wrdreg $0x9  }
0xb2: {  	_ =	task.clear_ibuf [dreg:s7], $0x6FFFF;
	_ =	strace $0x9000004C  }
0xb3: {  	s29 =	simm.s32 $0x9;
	_ =	strace $0x8000004E  }
0xb4: {  	_ =	swait.ge [sflag:s29], $0x1  }
0xb5: {  	[sflag:s29] =	ssyncadd.s32 $0xFFFFFFFF  }
0xb6: {  	_ =	strace $0x9000004E  }
0xb7: {  	_ =	sfence  }
0xb8: {  	s30 =	sld [smem:$0x0];
	_ =	sdelay $0x2  }
0xb9: {  	s31 =	sshll.u32 s1, $0xD;
	s1 =	sshrl.u32 s1, $0x2  }
0xba: {  	s3 =	sand.u32 $0x4000, s31;
	s1 =	sadd.s32 s1, s30  }
0xbb: {  	s0 =	sor.u32 s3, s0;
	s1 =	sshll.u32 s1, $0x11  }
0xbc: {  	s0 =	sor.u32 s1, s0  }
0xbd: {  	s0 =	sadd.s32 $0x8F2B, s0  }
0xbe: {  	[sflag:s0] =	ssyncadd.remote.s32 $0x1  }
0xbf: {  	_ =	sfence.sel $0xFFFF  }
0xc0: {  	[dreg:$0x0] =	wrdreg $0xFFFFFFFF;
	(pc) =	sbr.abs _section_cstart, $3  }
0xc1: {  	[dreg:$0x1] =	wrdreg $0xFFFFFFFF  }
0xc2: {  	_ =	task.clear_ibuf [dreg:s7], $0x2FFFF;
	_ =	strace $0x9FFFFFFF  }
0xc3: {  	(tm) =	ssettm $0x7FFFFFFF  }
tec
execute0_lowered:
.L_overlay_start_1:
0x0: {  	(tag) =	ssettag $0x1  }
0x1: {  	s6 =	rddreg [dreg:$0x0]  }
0x2: {  	s2 =	rddreg [dreg:$0x1]  }
0x3: {  	s0 =	srdreg.scid;
	s3 =	rddreg [dreg:$0x2]  }
0x4: {  	s1 =	rddreg [dreg:$0x3];
	s5 =	sand.u32 $0x1, s0  }
0x5: {  	s0 =	stileid.u32;
	s7 =	smul.u32 $0x50000, s5  }
0x6: {  	s4 =	simm.s32 $0x0;
	s14 =	simm.s32 $0x80;
	s8 =	smul.u32 $0x5000, s0  }
0x7: {  	s15 =	simm.s32 $0xA000;
	s16 =	simm.s32 $0x1;
	s9 =	smul.u32 $0xF000, s0  }
0x8: {  	s17 =	simm.s32 $0x0;
	[smem:$0x7FF] =	sst s4;
	s10 =	smul.u32 $0xF0000, s5  }
0x9: {  	_ =	strace $0x8000004D;
	s29 =	ssub.s32 $0x2, s5;
	s5 =	sadd.s32 $0x17800, s6  }
0xa: {  	s31 =	sshll.u32 s0, $0x6;
	s30 =	sshrl.u32 s29, $0x1;
	s7 =	sadd.s32 s8, s7  }
0xb: {  	s25 =	sadd.s32 s9, s10;
	s12 =	ssub.s32 s29, s30;
	s13 =	sadd.s32 s9, s3  }
0xc: {  	s7 =	sshrl.u32 s7, $0x3;
	s28 =	sshrl.u32 s25, $0x3;
	s10 =	smax.u32 s12, $0x1  }
0xd: {  	s12 =	simm.s32 $0x2;
	s26 =	sadd.s32 s7, s6;
	s11 =	sadd.s32 s28, s6  }
0xe: {  	s6 =	sor.u32 $0x1C02, s31;
	s7 =	sadd.s32 $0x68000, s26;
	s8 =	sadd.s32 $0x3800, s26  }
0xf: {  	s9 =	sadd.s32 $0x19600, s11;
	s11 =	sshrl.u32 s13, $0x3;
	s13 =	simm.s32 $0x5000  }
.LBB2_1:
0x10: {  	[spmem:s11], [sflag:s6] =	dma.local [hbm:s5], $0x1E00  }
0x11: {  	_ =	swait.ge [sflag:s12], $0x1E00  }
0x12: {  	[sflag:s12] =	ssyncset.done $0x0  }
0x13: {  	[sflag:s12] =	ssyncadd.s32 $0xFFFFE200  }
0x14: {  	[tilespmem:s4], [sflag:$0x2] =	stream.linear.gather [hbm4b:s7+s4], $0x5000, $0x38;
	[tilespmem:$0x1C000] =	vst v63  }
0x15: {  	_ =	swait.ge [sflag:s12], $0x5000  }
0x16: {  	[sflag:s12] =	ssyncset.done $0x0  }
0x17: {  	[sflag:s12] =	ssyncadd.s32 $0xFFFFB000  }
0x18: {  	[tilespmem:s13], [sflag:$0x2] =	stream.linear.gather [hbm4b:s8+s4], $0x5000, $0x38;
	[tilespmem:$0x1C000] =	vst v63  }
0x19: {  	_ =	swait.ge [sflag:s12], $0x5000  }
0x1a: {  	[sflag:s12] =	ssyncset.done $0x0  }
0x1b: {  	[sflag:s12] =	ssyncadd.s32 $0xFFFFB000  }
0x1c: {  	s18 =	simm.s32 $0x0;
	[bflag:$0x0] =	sbarrier.arrive $0xFFFF  }
0x1d: {  	[tilespmem:s15], [sflag:$0x1] =	stream.indirect.gather [hbm4b:s2+s14], $0x60, s18, s14, $0xb8;
	[tilespmem:$0x1C000] =	vst v63  }
0x1e: {  	_ =	swait.ge [sflag:s16], $0x3000  }
0x1f: {  	[sflag:s16] =	ssyncset.done $0x0  }
0x20: {  	s31 =	simm.s32 $0x5000;
	[sflag:s16] =	ssyncadd.s32 $0xFFFFD000  }
0x21: {  	[spmem:s3] =	stream.indirect.scatter.add.f32 [tilespmem:s15], [sflag:$0x2], $0x60, s31, s14, $0xb8;
	[tilespmem:$0x1C000] =	vst v63  }
0x22: {  	_ =	swait.ge [sflag:s12], $0x3000  }
0x23: {  	s19 =	simm.s32 $0x400;
	s18 =	simm.s32 $0x200;
	[sflag:s12] =	ssyncset.done $0x0  }
.LBB2_2:
0x24: {  	s20 =	sshra.s32 s18, $0x2  }
0x25: {  	[sflag:s12] =	ssyncadd.s32 $0xFFFFD000;
	s18 =	smov.u32 s19;
	s21 =	sadd.s32 $0x200, s19  }
0x26: {  	[tilespmem:s15], [sflag:$0x1] =	stream.indirect.gather [hbm4b:s2+s14], $0x60, s20, s14, $0xb8;
	[tilespmem:$0x1C000] =	vst v63  }
0x27: {  	p0 =	sne.s32 s19, $0x13E00;
	_ =	swait.ge [sflag:s16], $0x3000  }
.Ltmp0:
0x28: {  	[sflag:s16] =	ssyncset.done $0x0;
	(pc) =	sbr.rel @p0 .LBB2_2-.Ltmp0, $4  }
0x29: {  	s19 =	sadd.s32 $0x5000, s20;
	[sflag:s16] =	ssyncadd.s32 $0xFFFFD000  }
0x2a: {  	[spmem:s3] =	stream.indirect.scatter.add.f32 [tilespmem:s15], [sflag:$0x2], $0x60, s19, s14, $0xb8;
	[tilespmem:$0x1C000] =	vst v63  }
0x2b: {  	_ =	swait.ge [sflag:s12], $0x3000  }
0x2c: {  	s19 =	smov.u32 s21;
	[sflag:s12] =	ssyncset.done $0x0  }
0x2d: {  	s18 =	sshra.s32 s18, $0x2;
	[sflag:s12] =	ssyncadd.s32 $0xFFFFD000  }
0x2e: {  	[tilespmem:s15], [sflag:$0x1] =	stream.indirect.gather [hbm4b:s2+s14], $0x60, s18, s14, $0xb8;
	[tilespmem:$0x1C000] =	vst v63  }
0x2f: {  	_ =	swait.ge [sflag:s16], $0x3000  }
0x30: {  	[sflag:s16] =	ssyncset.done $0x0  }
0x31: {  	s18 =	sadd.s32 $0x5000, s18;
	[sflag:s16] =	ssyncadd.s32 $0xFFFFD000  }
0x32: {  	[spmem:s3] =	stream.indirect.scatter.add.f32 [tilespmem:s15], [sflag:$0x2], $0x60, s18, s14, $0xb8;
	[tilespmem:$0x1C000] =	vst v63  }
0x33: {  	_ =	swait.ge [sflag:s12], $0x3000  }
0x34: {  	s17 =	sadd.s32 $0x1, s17;
	[sflag:s12] =	ssyncset.done $0x0  }
0x35: {  	p0 =	sne.s32 s17, s10;
	[sflag:s12] =	ssyncadd.s32 $0xFFFFD000  }
.Ltmp1:
0x36: {  	[bflag:$0x0] =	sbarrier.arrive $0xFFFF;
	(pc) =	sbr.rel @p0 .LBB2_1-.Ltmp1, $4  }
0x37: {  	[hbm:s9], [sflag:s6] =	dma.local [spmem:s11], $0x1E00  }
0x38: {  	_ =	swait.ge [sflag:s12], $0x1E00  }
0x39: {  	[sflag:s12] =	ssyncset.done $0x0  }
0x3a: {  	[sflag:s12] =	ssyncadd.s32 $0xFFFFE200  }
0x3b: {  	_ =	sfence.sel $0x180000  }
0x3c: {  	[bflag:$0x0] =	sbarrier.arrive $0xFFFF  }
0x3d: {  	p0 =	sne.s32 s0, $0x0;
	_ =	strace $0x9000004D  }
0x3e: {  	s0 =	sadd.s32 @!p0 $0x100000, s1;
	[bflag:$0x2] =	sbarrier.arrive $0xFFFF  }
0x3f: {  	[sflag:s0] =	ssyncadd.tile.s32 @!p0 $0x1;
	_ =	shalt  }
.Lfunc_end2:
_tile_overlayer_lowered:
.L_overlay_start_2:
0x40: {  	(tag) =	ssettag $0x2  }
0x41: {  	s0 =	rddreg [dreg:$0x0];
	s2 =	stileid.u32  }
0x42: {  	s1 =	rddreg [dreg:$0x1];
	p0 =	sne.s32 s2, $0x0  }
0x43: {  	s3 =	rddreg [dreg:$0x2];
	[bflag:$0x3] =	sbarrier.arrive $0xFFFF;
	s2 =	simm.s32 @!p0 $0x1C02  }
0x44: {  	[timem:s3], [sflag:s2] =	dma.local @!p0 [hbm:s0], s1  }
0x45: {  	s0 =	simm.s32 @!p0 $0x2  }
0x46: {  	_ =	swait.ge @!p0 [sflag:s0], s1  }
0x47: {  	s1 =	ssub.s32 @!p0 $0x0, s1;
	[sflag:s0] =	ssyncset.done @!p0 $0x0  }
0x48: {  	[sflag:s0] =	ssyncadd.s32 @!p0 s1  }
0x49: {  	[bflag:$0x3] =	sbarrier.arrive $0xFFFF  }
0x4a: {  	_ =	shalt  }

// kernel: kernel.8.cloned.1.call-start
scs
__scs_entry_jumppad:
0x0: {  	(pc) =	sbr.rel $0x88, $3  }
0x1: {  	(tag) =	ssettag $0x0;
	lr =	simm.s32 $0x1  }
0x2: {  	[smem:$0x3F8D] =	sst lr;
	_ =	strace $0xD0000000  }
0x3: {  	_ = 	snop  }
0x4: {  	_ = 	snop  }
0x5: {  	_ = 	snop  }
0x6: {  	_ = 	snop  }
0x7: {  	_ = 	snop  }
__scs_overlays_trampoline_lowered:
0x8: {  	[smem:$0x3F9C] =	sst s0  }
0x9: {  	[smem:$0x3F9D] =	sst s1  }
0xa: {  	[smem:$0x3F9E] =	sst s2  }
0xb: {  	[smem:$0x3F9F] =	sst s3  }
0xc: {  	[smem:$0x3FA0] =	sst s4  }
0xd: {  	[smem:$0x3FA1] =	sst s5  }
0xe: {  	[smem:$0x3FA2] =	sst s6  }
0xf: {  	[smem:$0x3FA3] =	sst s7  }
0x10: {  	[smem:$0x3FA4] =	sst s8  }
0x11: {  	[smem:$0x3FA5] =	sst s9;
	s0 =	simm.s32 @!p0 $0x0  }
0x12: {  	s1 =	sld [smem:$0x3F8B];
	s0 =	simm.s32 @p0 $0x1  }
0x13: {  	[smem:$0x3FA6] =	sst s0;
	s0 =	simm.s32 @!p1 $0x0  }
0x14: {  	s2 =	sld [smem:$0x3F8A];
	s0 =	simm.s32 @p1 $0x1  }
0x15: {  	[smem:$0x3FA7] =	sst s0;
	s0 =	simm.s32 @!p2 $0x0  }
0x16: {  	s3 =	sld [smem:$0x3FDB];
	s0 =	simm.s32 @p2 $0x1  }
0x17: {  	s4 =	simm.s32 $0x1BF5;
	[smem:$0x3FA9] =	sst s0  }
0x18: {  	s0 =	sld [smem:$0x3F8C];
	_ =	swait.ge [sflag:s4], $0x0  }
0x19: {  	s7 =	sld [smem:$0x3F8D]  }
0x1a: {  	s8 =	sadd.s32 $0xFFFFE003, lr  }
0x1b: {  	s9 =	sadd.s32 $0xFFFFFEF7, lr;
	s5 =	simm.s32 $0xFFFFFFFF;
	p2 =	slt.u32 s8, $0xFFFFF086  }
0x1c: {  	p1 =	slt.u32 s9, $0xF7A;
	s5 =	simm.s32 @!p2 $0x0  }
0x1d: {  	s5 =	simm.s32 @p1 $0x1;
	p0 =	seq.s32 s7, s2  }
0x1e: {  	s7 =	smul.u32 @!p0 $0xF7A, s2;
	p2 =	seq.s32 @!p0 s5, $0x0  }
0x1f: {  	s9 =	smul.u32 $0xF7A, s1;
	s8 =	simm.s32 @!p0 $0x1BF5;
	p2 =	por !p2, p0  }
0x20: {  	[sflag:s8] =	ssyncset.s32 @!p0 $0xFFFFF086;
	s6 =	sadd.s32 @!p0 s3, s7;
	s7 =	simm.s32 @!p0 $0x108  }
0x21: {  	s3 =	sadd.s32 s3, s9;
	s6 =	sadd.s32 @!p0 $0x88, s6;
	s7 =	simm.s32 @p2 $0x1082  }
0x22: {  	[simem:s7], [sflag:s8] =	dma.local @!p0 [hbm:s6], $0xF7A  }
0x23: {  	s9 =	sor.u32 $0xD0000000, s2;
	s6 =	simm.s32 $0x108;
	_ =	swait.ge @!p0 [sflag:s8], $0x0  }
0x24: {  	s3 =	sadd.s32 $0x88, s3;
	s6 =	simm.s32 @!p1 $0x1082;
	[sflag:s4] =	ssyncset.s32 $0xFFFFF086  }
0x25: {  	[simem:s6], [sflag:s4] =	dma.local [hbm:s3], $0xF7A  }
0x26: {  	[smem:$0x3F8D] =	sst s1;
	(tag) =	ssettag s2;
	_ =	strace s9  }
0x27: {  	s1 =	sld [smem:$0x3F9D]  }
0x28: {  	s2 =	sld [smem:$0x3F9E]  }
0x29: {  	s4 =	sld [smem:$0x3FA0]  }
0x2a: {  	p0 =	seq.s32 s5, $0x0;
	s5 =	sld [smem:$0x3FA1]  }
0x2b: {  	s6 =	sld [smem:$0x3FA2]  }
0x2c: {  	s7 =	sld [smem:$0x3FA3]  }
0x2d: {  	s3 =	simm.s32 $0x108;
	s8 =	sld [smem:$0x3FA4]  }
0x2e: {  	s3 =	simm.s32 @!p0 $0x1082;
	s9 =	sld [smem:$0x3FA5]  }
0x2f: {  	lr =	sadd.s32 s0, s3;
	s0 =	sld [smem:$0x3F9C]  }
0x30: {  	s3 =	sld [smem:$0x3F9F]  }
0x31: {  	[smem:$0x3FA8] =	sst s10  }
0x32: {  	s10 =	sld [smem:$0x3FA6];
	_ =	sdelay $0x3  }
0x33: {  	p0 =	seq.s32 s10, $0x1;
	s10 =	sld [smem:$0x3FA8];
	_ =	sdelay $0x3  }
0x34: {  	[smem:$0x3FA8] =	sst s10  }
0x35: {  	s10 =	sld [smem:$0x3FA7];
	_ =	sdelay $0x3  }
0x36: {  	p1 =	seq.s32 s10, $0x1;
	s10 =	sld [smem:$0x3FA8];
	_ =	sdelay $0x3  }
0x37: {  	[smem:$0x3FA8] =	sst s10  }
0x38: {  	s10 =	sld [smem:$0x3FA9]  }
0x39: {  	_ = 	snop;
	(pc) =	sbr.ind lr, $3  }
0x3a: {  	_ = 	snop  }
0x3b: {  	_ = 	snop  }
0x3c: {  	p2 =	seq.s32 s10, $0x1;
	s10 =	sld [smem:$0x3FA8]  }
0x3d: {  	_ =	shalt  }
0x3e: {  	_ =	shalt  }
0x3f: {  	_ =	shalt  }
0x40: {  	_ =	shalt  }
0x41: {  	_ =	shalt  }
0x42: {  	_ =	shalt  }
0x43: {  	_ =	shalt  }
0x44: {  	_ =	shalt  }
0x45: {  	_ =	shalt  }
0x46: {  	_ =	shalt  }
0x47: {  	_ =	shalt  }
0x48: {  	_ =	shalt  }
0x49: {  	_ =	shalt  }
0x4a: {  	_ =	shalt  }
0x4b: {  	_ =	shalt  }
0x4c: {  	_ =	shalt  }
0x4d: {  	_ =	shalt  }
0x4e: {  	_ =	shalt  }
0x4f: {  	_ =	shalt  }
0x50: {  	_ =	shalt  }
0x51: {  	_ =	shalt  }
0x52: {  	_ =	shalt  }
0x53: {  	_ =	shalt  }
0x54: {  	_ =	shalt  }
0x55: {  	_ =	shalt  }
0x56: {  	_ =	shalt  }
0x57: {  	_ =	shalt  }
0x58: {  	_ =	shalt  }
0x59: {  	_ =	shalt  }
0x5a: {  	_ =	shalt  }
0x5b: {  	_ =	shalt  }
0x5c: {  	_ =	shalt  }
0x5d: {  	_ =	shalt  }
0x5e: {  	_ =	shalt  }
0x5f: {  	_ =	shalt  }
0x60: {  	_ =	shalt  }
0x61: {  	_ =	shalt  }
0x62: {  	_ =	shalt  }
0x63: {  	_ =	shalt  }
0x64: {  	_ =	shalt  }
0x65: {  	_ =	shalt  }
0x66: {  	_ =	shalt  }
0x67: {  	_ =	shalt  }
0x68: {  	_ =	shalt  }
0x69: {  	_ =	shalt  }
0x6a: {  	_ =	shalt  }
0x6b: {  	_ =	shalt  }
0x6c: {  	_ =	shalt  }
0x6d: {  	_ =	shalt  }
0x6e: {  	_ =	shalt  }
0x6f: {  	_ =	shalt  }
0x70: {  	_ =	shalt  }
0x71: {  	_ =	shalt  }
0x72: {  	_ =	shalt  }
0x73: {  	_ =	shalt  }
0x74: {  	_ =	shalt  }
0x75: {  	_ =	shalt  }
0x76: {  	_ =	shalt  }
0x77: {  	_ =	shalt  }
0x78: {  	_ =	shalt  }
0x79: {  	_ =	shalt  }
0x7a: {  	_ =	shalt  }
0x7b: {  	_ =	shalt  }
0x7c: {  	_ =	shalt  }
0x7d: {  	_ =	shalt  }
0x7e: {  	_ =	shalt  }
0x7f: {  	_ =	shalt  }
0x80: {  	_ =	shalt  }
0x81: {  	_ =	shalt  }
0x82: {  	_ =	shalt  }
0x83: {  	_ =	shalt  }
0x84: {  	_ =	shalt  }
0x85: {  	_ =	shalt  }
0x86: {  	_ =	shalt  }
0x87: {  	_ =	shalt  }
.Lfunc_end0:
.L_simem_size_0:
called_computation_lowered:
.L_overlay_start_0:
0x88: {  	s2 =	sld [smem:$0x3FD9]  }
0x89: {  	s3 =	sld [smem:$0x3FFE];
	_ =	sdelay $0x1  }
0x8a: {  	s1 =	srdreg.scid  }
0x8b: {  	s0 =	sand.u32 $0x1, s1  }
0x8c: {  	s17 =	sshll.u32 s0, $0xA;
	s2 =	sadd.s32 s3, s2  }
0x8d: {  	s2 =	sadd.s32 s2, s17  }
0x8e: {  	[smem:$0x3FB4] =	sst s2  }
0x8f: {  	_ = 	snop  }
0x90: {  	s2 =	sld [smem:$0x3FD0];
	(tm) =	ssettm $0x1  }
0x91: {  	s18 =	sld [smem:$0x3FFB];
	_ =	sdelay $0x3  }
0x92: {  	_ =	strace s18  }
0x93: {  	s3 =	sld [smem:$0x3FFC];
	_ =	sdelay $0x3  }
0x94: {  	_ =	strace s3  }
0x95: {  	s3 =	sld [smem:$0x3FFD];
	_ =	sdelay $0x3  }
0x96: {  	_ =	strace s3  }
0x97: {  	_ =	strace $0x8FFFFFFF  }
0x98: {  	s19 =	sld [smem:$0x3FDB];
	_ =	sdelay $0x1  }
0x99: {  	s4 =	simm.s32 $_scs_section_size  }
0x9a: {  	s5 =	simm.s32 $_size__tile_overlayer_lowered;
	s6 =	simm.s32 $_tile_overlayer_lowered  }
0x9b: {  	s22 =	simm.s32 $0x1BFF;
	s21 =	sshll.u32 s6, $0x1;
	s3 =	sadd.s32 s4, s19  }
0x9c: {  	s7 =	simm.s32 $0x0;
	s20 =	sshll.u32 s5, $0x1;
	s5 =	sadd.s32 s21, s3  }
0x9d: {  	[timem:s7], [sflag:s22] =	dma.local [hbm:s5], s20  }
0x9e: {  	_ =	swait.ge [sflag:s22], s20  }
0x9f: {  	s4 =	ssub.s32 $0x0, s20;
	[sflag:s22] =	ssyncset.done $0x0  }
0xa0: {  	[sflag:s22] =	ssyncadd.s32 s4;
	_ =	sdelay $0x1  }
0xa1: {  	s23 =	simm.s32 $0x1B8B  }
0xa2: {  	_ =	swait.ge [sflag:s23], $0x1  }
0xa3: {  	[sflag:s23] =	ssyncset.done $0x0  }
0xa4: {  	s25 =	simm.s32 $0x1B8E;
	s24 =	sld [smem:$0x3FFE];
	[sflag:s23] =	ssyncadd.s32 $0xFFFFFFFF  }
0xa5: {  	s26 =	simm.s32 $execute0_lowered;
	[smem:$0x3FD2] =	sst s25  }
0xa6: {  	s5 =	sshll.u32 s26, $0x1;
	_ =	strace $0x80000046;
	[dreg:$0x1] =	wrdreg $0xFFFFFFFF  }
0xa7: {  	s28 =	simm.s32 $_size_execute0_lowered;
	s3 =	sadd.s32 s3, s5;
	[dreg:$0x0] =	wrdreg $0x0  }
0xa8: {  	s5 =	sshll.u32 s28, $0x1;
	[dreg:$0x2] =	wrdreg s3  }
0xa9: {  	[dreg:$0x3] =	wrdreg s5  }
0xaa: {  	[dreg:$0x4] =	wrdreg $0xC0  }
0xab: {  	_ =	task [dreg:s7], $0x5FFFF  }
0xac: {  	[dreg:$0x1] =	wrdreg $0xFFFFFFFF  }
0xad: {  	[dreg:$0x0] =	wrdreg $0x60  }
0xae: {  	[dreg:$0x2] =	wrdreg s24  }
0xaf: {  	[dreg:$0x3] =	wrdreg s2  }
0xb0: {  	[dreg:$0x4] =	wrdreg $0x90000  }
0xb1: {  	[dreg:$0x5] =	wrdreg $0x9  }
0xb2: {  	_ =	task.clear_ibuf [dreg:s7], $0x6FFFF;
	_ =	strace $0x90000046  }
0xb3: {  	s29 =	simm.s32 $0x9;
	_ =	strace $0x80000048  }
0xb4: {  	_ =	swait.ge [sflag:s29], $0x1  }
0xb5: {  	[sflag:s29] =	ssyncadd.s32 $0xFFFFFFFF  }
0xb6: {  	_ =	strace $0x90000048  }
0xb7: {  	_ =	sfence  }
0xb8: {  	s30 =	sld [smem:$0x0];
	_ =	sdelay $0x2  }
0xb9: {  	s31 =	sshll.u32 s1, $0xD;
	s1 =	sshrl.u32 s1, $0x2  }
0xba: {  	s3 =	sand.u32 $0x4000, s31;
	s1 =	sadd.s32 s1, s30  }
0xbb: {  	s0 =	sor.u32 s3, s0;
	s1 =	sshll.u32 s1, $0x11  }
0xbc: {  	s0 =	sor.u32 s1, s0  }
0xbd: {  	s0 =	sadd.s32 $0x8F2B, s0  }
0xbe: {  	[sflag:s0] =	ssyncadd.remote.s32 $0x1  }
0xbf: {  	_ =	sfence.sel $0xFFFF  }
0xc0: {  	[dreg:$0x0] =	wrdreg $0xFFFFFFFF;
	(pc) =	sbr.abs _section_cstart, $3  }
0xc1: {  	[dreg:$0x1] =	wrdreg $0xFFFFFFFF  }
0xc2: {  	_ =	task.clear_ibuf [dreg:s7], $0x2FFFF;
	_ =	strace $0x9FFFFFFF  }
0xc3: {  	(tm) =	ssettm $0x7FFFFFFF  }
tec
execute0_lowered:
.L_overlay_start_1:
0x0: {  	(tag) =	ssettag $0x1  }
0x1: {  	s6 =	rddreg [dreg:$0x0]  }
0x2: {  	s0 =	srdreg.scid;
	s2 =	rddreg [dreg:$0x1]  }
0x3: {  	s3 =	rddreg [dreg:$0x2];
	s7 =	sand.u32 $0x1, s0  }
0x4: {  	s0 =	stileid.u32;
	s5 =	smul.u32 $0x50000, s7  }
0x5: {  	s1 =	rddreg [dreg:$0x3];
	s4 =	simm.s32 $0x0;
	s8 =	smul.u32 $0x5000, s0  }
0x6: {  	s13 =	simm.s32 $0x80;
	[smem:$0x7FF] =	sst s4;
	s9 =	smul.u32 $0x140000, s7  }
0x7: {  	s14 =	simm.s32 $0x0;
	s28 =	smul.u32 $0x14000, s0;
	_ =	strace $0x80000047  }
0x8: {  	s29 =	smul.u32 $0x50000, s0;
	s7 =	ssub.s32 $0x2, s7;
	s31 =	sshll.u32 s0, $0x6  }
0x9: {  	s30 =	sshrl.u32 s7, $0x1;
	s5 =	sadd.s32 s8, s5;
	s8 =	sadd.s32 s28, s9  }
0xa: {  	s9 =	sshrl.u32 s29, $0x2;
	s11 =	ssub.s32 s7, s30;
	s5 =	sshrl.u32 s5, $0x3  }
0xb: {  	s8 =	sshrl.u32 s8, $0x3;
	s12 =	sadd.s32 s9, s3;
	s9 =	smax.u32 s11, $0x1  }
0xc: {  	s11 =	simm.s32 $0x1;
	s10 =	sadd.s32 s5, s6;
	s5 =	sadd.s32 $0x17800, s6  }
0xd: {  	s8 =	sadd.s32 s8, s6;
	s6 =	sor.u32 $0x1C01, s31;
	s7 =	sadd.s32 $0x3800, s10  }
0xe: {  	s8 =	sadd.s32 $0x18000, s8;
	s10 =	sshrl.u32 s12, $0x3;
	s12 =	simm.s32 $0x5000  }
.LBB2_1:
0xf: {  	[spmem:s10], [sflag:s6] =	dma.local [hbm:s2], $0x2800  }
0x10: {  	_ =	swait.ge [sflag:s11], $0x2800  }
0x11: {  	[sflag:s11] =	ssyncset.done $0x0  }
0x12: {  	[sflag:s11] =	ssyncadd.s32 $0xFFFFD800  }
0x13: {  	[tilespmem:s12], [sflag:$0x1] =	stream.linear.gather [hbm4b:s5+s4], $0x4000, $0x38;
	[tilespmem:$0xB800] =	vst v63  }
0x14: {  	_ =	swait.ge [sflag:s11], $0x4000  }
0x15: {  	[sflag:s11] =	ssyncset.done $0x0  }
0x16: {  	[sflag:s11] =	ssyncadd.s32 $0xFFFFC000  }
0x17: {  	[tilespmem:s4], [sflag:$0x1] =	stream.linear.gather [hbm4b:s7+s4], $0x5000, $0x38;
	[tilespmem:$0xB800] =	vst v63  }
0x18: {  	_ =	swait.ge [sflag:s11], $0x5000  }
0x19: {  	[sflag:s11] =	ssyncset.done $0x0  }
0x1a: {  	[sflag:s11] =	ssyncadd.s32 $0xFFFFB000  }
0x1b: {  	s15 =	simm.s32 $0x0;
	[bflag:$0x0] =	sbarrier.arrive $0xFFFF  }
0x1c: {  	[spmem:s3] =	stream.indirect.scatter.add.f32 [tilespmem:s12], [sflag:$0x1], $0x10, s15, s13, $0xb8;
	[tilespmem:$0xB800] =	vst v63  }
0x1d: {  	_ =	swait.ge [sflag:s11], $0x800  }
0x1e: {  	s15 =	simm.s32 $0x200;
	[sflag:s11] =	ssyncset.done $0x0  }
.LBB2_2:
0x1f: {  	s16 =	sshra.s32 s15, $0x2;
	[sflag:s11] =	ssyncadd.s32 $0xFFFFF800;
	p0 =	sne.s32 s15, $0x13E00  }
0x20: {  	[spmem:s3] =	stream.indirect.scatter.add.f32 [tilespmem:s12], [sflag:$0x1], $0x10, s16, s13, $0xb8;
	[tilespmem:$0xB800] =	vst v63  }
.Ltmp0:
0x21: {  	_ = 	snop;
	(pc) =	sbr.rel @p0 .LBB2_2-.Ltmp0, $4  }
0x22: {  	_ = 	snop  }
0x23: {  	s15 =	sadd.s32 $0x200, s15  }
0x24: {  	_ =	swait.ge [sflag:s11], $0x800  }
0x25: {  	[sflag:s11] =	ssyncset.done $0x0  }
0x26: {  	s14 =	sadd.s32 $0x1, s14  }
0x27: {  	[sflag:s11] =	ssyncadd.s32 $0xFFFFF800;
	p0 =	sne.s32 s14, s9  }
.Ltmp1:
0x28: {  	[bflag:$0x0] =	sbarrier.arrive $0xFFFF;
	(pc) =	sbr.rel @p0 .LBB2_1-.Ltmp1, $4  }
0x29: {  	[hbm:s8], [sflag:s6] =	dma.local [spmem:s10], $0x2800  }
0x2a: {  	_ =	swait.ge [sflag:s11], $0x2800  }
0x2b: {  	[sflag:s11] =	ssyncset.done $0x0  }
0x2c: {  	[sflag:s11] =	ssyncadd.s32 $0xFFFFD800  }
0x2d: {  	_ =	sfence.sel $0x180000  }
0x2e: {  	[bflag:$0x0] =	sbarrier.arrive $0xFFFF  }
0x2f: {  	p0 =	sne.s32 s0, $0x0;
	_ =	strace $0x90000047  }
0x30: {  	s0 =	sadd.s32 @!p0 $0x100000, s1;
	[bflag:$0x2] =	sbarrier.arrive $0xFFFF  }
0x31: {  	[sflag:s0] =	ssyncadd.tile.s32 @!p0 $0x1;
	_ =	shalt  }
.Lfunc_end2:
_tile_overlayer_lowered:
.L_overlay_start_2:
0x32: {  	(tag) =	ssettag $0x2  }
0x33: {  	s0 =	rddreg [dreg:$0x0];
	s2 =	stileid.u32  }
0x34: {  	s1 =	rddreg [dreg:$0x1];
	p0 =	sne.s32 s2, $0x0  }
0x35: {  	s3 =	rddreg [dreg:$0x2];
	[bflag:$0x3] =	sbarrier.arrive $0xFFFF;
	s2 =	simm.s32 @!p0 $0x1C01  }
0x36: {  	[timem:s3], [sflag:s2] =	dma.local @!p0 [hbm:s0], s1  }
0x37: {  	s0 =	simm.s32 @!p0 $0x1  }
0x38: {  	_ =	swait.ge @!p0 [sflag:s0], s1  }
0x39: {  	s1 =	ssub.s32 @!p0 $0x0, s1;
	[sflag:s0] =	ssyncset.done @!p0 $0x0  }
0x3a: {  	[sflag:s0] =	ssyncadd.s32 @!p0 s1  }
0x3b: {  	[bflag:$0x3] =	sbarrier.arrive $0xFFFF  }
0x3c: {  	_ =	shalt  }

</sc_bundles>
